<compile_context>
chip_gen: v7x
topology: tpu7x:2x2x1
jax: 0.10.2.dev20260603
libtpu: 0.0.44.dev20260713+nightly
codegen_flags: <defaults>
</compile_context>

<pallas_src>
import functools

import jax
import jax.numpy as jnp
import numpy as np
from jax import lax
from jax.experimental import pallas as pl
from jax.experimental.pallas import tpu as pltpu
from jax.experimental.pallas import tpu_sc as plsc

_FIELD_DIMS = np.array([10000] * 39, dtype=np.int64)
_SEL = np.hstack((_FIELD_DIMS[:3], _FIELD_DIMS[4:8], _FIELD_DIMS[10:15],
                  _FIELD_DIMS[17:19], _FIELD_DIMS[21:24], _FIELD_DIMS[26:]))
_OFFSETS = np.array((0, *np.cumsum(_SEL)[:-1]), dtype=np.int32)
_SELIDS = np.array([*range(0, 3), *range(4, 8), *range(10, 15),
                    *range(17, 19), *range(21, 24), *range(26, 39)],
                   dtype=np.int32)

B = 4096
F = 30
FP = 32
D = 64
NC, NS, L = 2, 16, 16
NW = NC * NS
BW = B // NW
ROWS = 128
C = ROWS // FP
NCHUNK = BW // C
XROWS = 40

_SELP = np.concatenate([_SELIDS, [0, 1]]).astype(np.int32)
_OFFP = np.concatenate([_OFFSETS, [280000, 290000]]).astype(np.int32)
_SELOFF = np.concatenate([_SELP, _OFFP, np.zeros(64, np.int32)])


def _build(interpret=False):
  mesh = plsc.VectorSubcoreMesh(core_axis_name="c", subcore_axis_name="s",
                                num_cores=NC, num_subcores=NS)

  @functools.partial(
      pl.kernel,
      out_type=jax.ShapeDtypeStruct((B,), jnp.float32),
      mesh=mesh,
      interpret=interpret,
      compiler_params=pltpu.CompilerParams(needs_layout_passes=False,
                                           use_tc_tiling_on_sc=False),
      scratch_types=[
          pltpu.VMEM((NCHUNK, ROWS), jnp.int32),
          pltpu.VMEM((2, ROWS, D), jnp.float32),
          pltpu.VMEM((BW,), jnp.float32),
          pltpu.VMEM((L,), jnp.float32),
          pltpu.SemaphoreType.DMA,
          pltpu.SemaphoreType.DMA,
      ],
  )
  def fm_kernel(idx_hbm, table_hbm, bias_hbm, out_hbm,
                idx_v, rows_v, out_v, bias_v, sem0, sem1):
    wid = lax.axis_index("s") * NC + lax.axis_index("c")
    sems = (sem0, sem1)

    pltpu.sync_copy(idx_hbm.at[pl.ds(wid * NCHUNK, NCHUNK)], idx_v)
    pltpu.sync_copy(bias_hbm, bias_v)

    def gather_start(c, buf):
      pltpu.async_copy(table_hbm.at[idx_v.at[c]], rows_v.at[buf], sems[buf])

    def gather_wait(c, buf):
      pltpu.make_async_copy(table_hbm.at[idx_v.at[c]], rows_v.at[buf],
                            sems[buf]).wait()

    lanes = lax.iota(jnp.int32, L)

    def compute_chunk(c, buf, tvec):
      for bb in range(C):
        zero = jnp.zeros((L,), jnp.float32)

        def fbody(f, carry, _bb=bb):
          s0, s1, s2, s3, q = carry
          j = _bb * FP + f
          r0 = rows_v[buf, j, pl.ds(0, L)]
          r1 = rows_v[buf, j, pl.ds(L, L)]
          r2 = rows_v[buf, j, pl.ds(2 * L, L)]
          r3 = rows_v[buf, j, pl.ds(3 * L, L)]
          return (s0 + r0, s1 + r1, s2 + r2, s3 + r3,
                  q + r0 * r0 + r1 * r1 + r2 * r2 + r3 * r3)

        s0, s1, s2, s3, q = lax.fori_loop(0, F, fbody, (zero,) * 5)
        lin = jnp.sum(s0 + s1 + s2 + s3)
        sq = jnp.sum(s0 * s0 + s1 * s1 + s2 * s2 + s3 * s3)
        qs = jnp.sum(q)
        t = lin + 0.5 * (sq - qs)
        lane = (c * C + bb) % L
        tvec = jnp.where(lanes == lane, t, tvec)
      return tvec

    gather_start(0, 0)

    def pipe_body(i, tvec):
      c0 = 2 * i
      gather_start(c0 + 1, 1)
      gather_wait(c0, 0)
      tvec = compute_chunk(c0, 0, tvec)

      @pl.when(i < NCHUNK // 2 - 1)
      def _():
        gather_start(c0 + 2, 0)

      gather_wait(c0 + 1, 1)
      tvec = compute_chunk(c0 + 1, 1, tvec)

      @pl.when(i % 2 == 1)
      def _():
        out_v[pl.ds((i // 2) * L, L)] = tvec

      return tvec

    lax.fori_loop(0, NCHUNK // 2, pipe_body, jnp.zeros((L,), jnp.float32))

    bias_vec = bias_v[...]
    for k in range(BW // L):
      t = out_v[pl.ds(k * L, L)] + bias_vec
      out_v[pl.ds(k * L, L)] = 1.0 / (1.0 + jnp.exp(-t))

    pltpu.sync_copy(out_v, out_hbm.at[pl.ds(wid * BW, BW)])

  return fm_kernel


_FM_CACHE = []


def _get_fm():
  if not _FM_CACHE:
    _FM_CACHE.append(_build())
  return _FM_CACHE[0]


@jax.jit
def kernel(x, additional, emb_table, bias):
  del additional
  xs = jnp.concatenate((x[:, :3], x[:, 4:8], x[:, 10:15], x[:, 17:19],
                        x[:, 21:24], x[:, 26:]), axis=1)
  idx = xs.astype(jnp.int32) + jnp.asarray(_OFFSETS)
  pad = jnp.arange(B * (FP - F), dtype=jnp.int32).reshape(B, FP - F)
  idx = jnp.concatenate((idx, pad), axis=1)
  idx2d = idx.reshape(B * FP // ROWS, ROWS)
  bias16 = jnp.broadcast_to(bias.astype(jnp.float32), (L,))
  return _get_fm()(idx2d, emb_table, bias16)

# --- scband reference (transcript-rebuilt; emitter-appended) ---
"""Pipeline reference for scband-factorization-machine-model-71863392797266 (READ-ONLY COPY).

The authoritative reference and input builder live on the scoring server;
editing this copy changes nothing except your own understanding.
"""

import jax, jax.numpy as jnp
import numpy as np

FIELD_DIMS = np.array([10000] * 39, dtype=np.int64)
SEL = np.hstack((FIELD_DIMS[:3], FIELD_DIMS[4:8], FIELD_DIMS[10:15], FIELD_DIMS[17:19], FIELD_DIMS[21:24], FIELD_DIMS[26:]))
OFFSETS = np.array((0, *np.cumsum(SEL)[:-1]), dtype=np.int64)
EMBED_DIM = 64
BATCH = 4096


def setup_inputs(seed: int = 0) -> dict:
    key = jax.random.key(seed)
    k1, k2, k3 = jax.random.split(key, 3)
    x = jax.random.randint(k1, (BATCH, 39), 0, 10000)
    additional = jax.random.normal(k2, (BATCH, 16), dtype=jnp.float32)
    emb_table = jax.random.normal(k3, (int(SEL.sum()), EMBED_DIM), dtype=jnp.float32) * 0.01
    bias = jnp.zeros((1,), dtype=jnp.float32)
    return {"x": x, "additional": additional, "emb_table": emb_table, "bias": bias}


def reference(x, additional, emb_table, bias):
    # slice raw fields exactly as the torch forward does
    xs = jnp.concatenate((x[:, :3], x[:, 4:8], x[:, 10:15], x[:, 17:19], x[:, 21:24], x[:, 26:]), axis=1)
    idx = xs + jnp.asarray(OFFSETS, dtype=xs.dtype)
    # FeaturesEmbedding: offset + gather
    feat = jnp.take(emb_table, idx, axis=0)  # [B, F, D]
    # linear term: sum over embed dim then fields, plus bias
    linear_x = (jnp.sum(jnp.sum(feat, axis=2), axis=1) + bias)[:, None]  # [B, 1]
    # FactorizationMachine(reduce_sum=True)
    square_of_sum = jnp.sum(feat, axis=1) ** 2      # [B, D]
    sum_of_square = jnp.sum(feat ** 2, axis=1)      # [B, D]
    ix = 0.5 * jnp.sum(square_of_sum - sum_of_square, axis=1, keepdims=True)  # [B, 1]
    out = jax.nn.sigmoid(jnp.squeeze(linear_x + ix, axis=1))  # [B]
    return out

if __name__ == "__main__":
    import jax
    _d = setup_inputs()
    print(jax.jit(kernel)(*tuple(_d.values())))

</pallas_src>

<mosaic_0001>
#map = affine_map<(d0, d1) -> (0, 0)>
#map1 = affine_map<(d0, d1) -> (0)>
module attributes {stable_mosaic.version = 14 : i64} {
  func.func @fm_kernel(%arg0: i32, %arg1: i32, %arg2: memref<1024x128xi32, #tpu.memory_space<hbm>>, %arg3: memref<300000x64xf32, #tpu.memory_space<hbm>>, %arg4: memref<16xf32, #tpu.memory_space<hbm>>, %arg5: memref<4096xf32, #tpu.memory_space<hbm>>, %arg6: memref<32x128xi32, #tpu.memory_space<vmem>>, %arg7: memref<2x128x64xf32, #tpu.memory_space<vmem>>, %arg8: memref<128xf32, #tpu.memory_space<vmem>>, %arg9: memref<16xf32, #tpu.memory_space<vmem>>, %arg10: memref<!tpu.dma_semaphore, #tpu.memory_space<semaphore_mem>>, %arg11: memref<!tpu.dma_semaphore, #tpu.memory_space<semaphore_mem>>) attributes {dimension_semantics = [#tpu.dimension_semantics<core_parallel>, #tpu.dimension_semantics<subcore_parallel>], iteration_bounds = array<i64: 2, 16>, scalar_prefetch = 0 : i64, scratch_operands = 6 : i64, tpu.core_type = #tpu.core_type<sc_vector_subcore>, window_params = [{transform_indices = #map}, {transform_indices = #map}, {transform_indices = #map1}, {transform_indices = #map1}]} {
    %mul3A = arith.constant 2 : i32
    %mul3A_0 = arith.muli %arg1, %mul3A : i32
    %add3A = arith.addi %mul3A_0, %arg0 : i32
    %mul3A_1 = arith.constant 32 : i32
    %mul3A_2 = arith.muli %add3A, %mul3A_1 : i32
    "tpu.region"() ({
      %run_scoped3A = tpu.sem_alloc : memref<!tpu.dma_semaphore, #tpu.memory_space<semaphore_mem>>
      %dma_start3A_139 = arith.constant 0 : i32
      %dma_start3A_140 = tpu.memref_slice %arg2[%mul3A_2, %dma_start3A_139] : memref<1024x128xi32, #tpu.memory_space<hbm>> -> memref<32x128xi32, #tpu.memory_space<hbm>>
      %dma_start3A_141 = arith.constant 0 : i32
      %dma_start3A_142 = tpu.memref_slice %arg2[%mul3A_2, %dma_start3A_141] : memref<1024x128xi32, #tpu.memory_space<hbm>> -> memref<32x128xi32, #tpu.memory_space<hbm>>
      tpu.enqueue_dma source(%dma_start3A_142 : memref<32x128xi32, #tpu.memory_space<hbm>>) target(%arg6 : memref<32x128xi32, #tpu.memory_space<vmem>>) target_semaphore(%run_scoped3A : memref<!tpu.dma_semaphore, #tpu.memory_space<semaphore_mem>>)
      %dma_wait3A = arith.constant 0 : i32
      %dma_wait3A_143 = tpu.memref_slice %arg2[%mul3A_2, %dma_wait3A] : memref<1024x128xi32, #tpu.memory_space<hbm>> -> memref<32x128xi32, #tpu.memory_space<hbm>>
      %dma_wait3A_144 = arith.constant 0 : i32
      %dma_wait3A_145 = tpu.memref_slice %arg2[%mul3A_2, %dma_wait3A_144] : memref<1024x128xi32, #tpu.memory_space<hbm>> -> memref<32x128xi32, #tpu.memory_space<hbm>>
      tpu.wait_dma2 semaphore(%run_scoped3A : memref<!tpu.dma_semaphore, #tpu.memory_space<semaphore_mem>>) src(%dma_wait3A_145 : memref<32x128xi32, #tpu.memory_space<hbm>>) dst(%arg6 : memref<32x128xi32, #tpu.memory_space<vmem>>)
      tpu.yield
    }) : () -> ()
    "tpu.region"() ({
      %run_scoped3A = tpu.sem_alloc : memref<!tpu.dma_semaphore, #tpu.memory_space<semaphore_mem>>
      tpu.enqueue_dma source(%arg4 : memref<16xf32, #tpu.memory_space<hbm>>) target(%arg9 : memref<16xf32, #tpu.memory_space<vmem>>) target_semaphore(%run_scoped3A : memref<!tpu.dma_semaphore, #tpu.memory_space<semaphore_mem>>)
      tpu.wait_dma2 semaphore(%run_scoped3A : memref<!tpu.dma_semaphore, #tpu.memory_space<semaphore_mem>>) src(%arg4 : memref<16xf32, #tpu.memory_space<hbm>>) dst(%arg9 : memref<16xf32, #tpu.memory_space<vmem>>)
      tpu.yield
    }) : () -> ()
    %iota3A = tpu.iota {dimensions = array<i32: 0>} : vector<16xi32>
    %dma_start3A = arith.constant 0 : i32
    %dma_start3A_3 = arith.constant 0 : i32
    %dma_start3A_4 = arith.constant 0 : i32
    %dma_start3A_5 = arith.constant 0 : i32
    %dma_start3A_6 = tpu.memref_slice %arg7[%dma_start3A_3, %dma_start3A_4, %dma_start3A_5] : memref<2x128x64xf32, #tpu.memory_space<vmem>> -> memref<1x128x64xf32, #tpu.memory_space<vmem>>
    %dma_start3A_7 = tpu.memref_squeeze %dma_start3A_6 : memref<1x128x64xf32, #tpu.memory_space<vmem>> -> memref<128x64xf32, #tpu.memory_space<vmem>>
    %dma_start3A_8 = arith.constant 0 : i32
    %dma_start3A_9 = tpu.memref_slice %arg6[%dma_start3A, %dma_start3A_8] : memref<32x128xi32, #tpu.memory_space<vmem>> -> memref<1x128xi32, #tpu.memory_space<vmem>>
    %dma_start3A_10 = tpu.memref_squeeze %dma_start3A_9 : memref<1x128xi32, #tpu.memory_space<vmem>> -> memref<128xi32, #tpu.memory_space<vmem>>
    %dma_start3A_11 = arith.constant 0 : i32
    %dma_start3A_12 = arith.constant 0 : i32
    %dma_start3A_13 = tpu.memref_slice %arg3[%dma_start3A_11, %dma_start3A_12] : memref<300000x64xf32, #tpu.memory_space<hbm>> -> memref<300000x64xf32, #tpu.memory_space<hbm>>
    tpu.enqueue_indirect_dma source(%dma_start3A_13 : memref<300000x64xf32, #tpu.memory_space<hbm>>) target(%dma_start3A_7 : memref<128x64xf32, #tpu.memory_space<vmem>>) offsets(%dma_start3A_10 : memref<128xi32, #tpu.memory_space<vmem>>) semaphore(%arg10 : memref<!tpu.dma_semaphore, #tpu.memory_space<semaphore_mem>>)
    %broadcast_in_dim3A = arith.constant 0.000000e+00 : f32
    %broadcast_in_dim3A_14 = vector.broadcast %broadcast_in_dim3A : f32 to vector<16xf32>
    %scan3A = arith.constant 0 : i32
    %scan3A_15 = arith.constant 16 : i32
    %scan3A_16 = arith.addi %scan3A, %scan3A_15 : i32
    %scan3A_17 = arith.constant 1 : i32
    %scan3A_18 = scf.for %scan3A_139 = %scan3A to %scan3A_16 step %scan3A_17 iter_args(%scan3A_140 = %broadcast_in_dim3A_14) -> (vector<16xf32>)  : i32 {
      %mul3A_141 = arith.constant 2 : i32
      %mul3A_142 = arith.muli %mul3A_141, %scan3A_139 : i32
      %add3A_143 = arith.constant 1 : i32
      %add3A_144 = arith.addi %mul3A_142, %add3A_143 : i32
      %dma_start3A_145 = arith.constant 1 : i32
      %dma_start3A_146 = arith.constant 0 : i32
      %dma_start3A_147 = arith.constant 0 : i32
      %dma_start3A_148 = tpu.memref_slice %arg7[%dma_start3A_145, %dma_start3A_146, %dma_start3A_147] : memref<2x128x64xf32, #tpu.memory_space<vmem>> -> memref<1x128x64xf32, #tpu.memory_space<vmem>>
      %dma_start3A_149 = tpu.memref_squeeze %dma_start3A_148 : memref<1x128x64xf32, #tpu.memory_space<vmem>> -> memref<128x64xf32, #tpu.memory_space<vmem>>
      %dma_start3A_150 = arith.constant 0 : i32
      %dma_start3A_151 = tpu.memref_slice %arg6[%add3A_144, %dma_start3A_150] : memref<32x128xi32, #tpu.memory_space<vmem>> -> memref<1x128xi32, #tpu.memory_space<vmem>>
      %dma_start3A_152 = tpu.memref_squeeze %dma_start3A_151 : memref<1x128xi32, #tpu.memory_space<vmem>> -> memref<128xi32, #tpu.memory_space<vmem>>
      %dma_start3A_153 = arith.constant 0 : i32
      %dma_start3A_154 = arith.constant 0 : i32
      %dma_start3A_155 = tpu.memref_slice %arg3[%dma_start3A_153, %dma_start3A_154] : memref<300000x64xf32, #tpu.memory_space<hbm>> -> memref<300000x64xf32, #tpu.memory_space<hbm>>
      tpu.enqueue_indirect_dma source(%dma_start3A_155 : memref<300000x64xf32, #tpu.memory_space<hbm>>) target(%dma_start3A_149 : memref<128x64xf32, #tpu.memory_space<vmem>>) offsets(%dma_start3A_152 : memref<128xi32, #tpu.memory_space<vmem>>) semaphore(%arg11 : memref<!tpu.dma_semaphore, #tpu.memory_space<semaphore_mem>>)
      %dma_wait3A = arith.constant 0 : i32
      %dma_wait3A_156 = arith.constant 0 : i32
      %dma_wait3A_157 = arith.constant 0 : i32
      %dma_wait3A_158 = tpu.memref_slice %arg7[%dma_wait3A, %dma_wait3A_156, %dma_wait3A_157] : memref<2x128x64xf32, #tpu.memory_space<vmem>> -> memref<1x128x64xf32, #tpu.memory_space<vmem>>
      %dma_wait3A_159 = tpu.memref_squeeze %dma_wait3A_158 : memref<1x128x64xf32, #tpu.memory_space<vmem>> -> memref<128x64xf32, #tpu.memory_space<vmem>>
      %dma_wait3A_160 = arith.constant 0 : i32
      %dma_wait3A_161 = tpu.memref_slice %arg6[%mul3A_142, %dma_wait3A_160] : memref<32x128xi32, #tpu.memory_space<vmem>> -> memref<1x128xi32, #tpu.memory_space<vmem>>
      %dma_wait3A_162 = tpu.memref_squeeze %dma_wait3A_161 : memref<1x128xi32, #tpu.memory_space<vmem>> -> memref<128xi32, #tpu.memory_space<vmem>>
      %dma_wait3A_163 = arith.constant 0 : i32
      %dma_wait3A_164 = arith.constant 0 : i32
      %dma_wait3A_165 = tpu.memref_slice %arg3[%dma_wait3A_163, %dma_wait3A_164] : memref<300000x64xf32, #tpu.memory_space<hbm>> -> memref<300000x64xf32, #tpu.memory_space<hbm>>
      tpu.wait_indirect_dma semaphore(%arg10 : memref<!tpu.dma_semaphore, #tpu.memory_space<semaphore_mem>>) src(%dma_wait3A_165 : memref<300000x64xf32, #tpu.memory_space<hbm>>) dst(%dma_wait3A_159 : memref<128x64xf32, #tpu.memory_space<vmem>>)
      %broadcast_in_dim3A_166 = arith.constant 0.000000e+00 : f32
      %broadcast_in_dim3A_167 = vector.broadcast %broadcast_in_dim3A_166 : f32 to vector<16xf32>
      %scan3A_168 = arith.constant 0 : i32
      %scan3A_169 = arith.constant 30 : i32
      %scan3A_170 = arith.addi %scan3A_168, %scan3A_169 : i32
      %scan3A_171 = arith.constant 1 : i32
      %scan3A_172:5 = scf.for %scan3A_660 = %scan3A_168 to %scan3A_170 step %scan3A_171 iter_args(%scan3A_661 = %broadcast_in_dim3A_167, %scan3A_662 = %broadcast_in_dim3A_167, %scan3A_663 = %broadcast_in_dim3A_167, %scan3A_664 = %broadcast_in_dim3A_167, %scan3A_665 = %broadcast_in_dim3A_167) -> (vector<16xf32>, vector<16xf32>, vector<16xf32>, vector<16xf32>, vector<16xf32>)  : i32 {
        %add3A_666 = arith.constant 0 : i32
        %add3A_667 = arith.addi %add3A_666, %scan3A_660 : i32
        %get3A_668 = arith.constant 0 : i32
        %get3A_669 = arith.index_cast %get3A_668 : i32 to index
        %get3A_670 = arith.index_cast %add3A_667 : i32 to index
        %get3A_671 = arith.constant 0 : index
        %get3A_672 = tpu.vector_load %arg7[%get3A_669, %get3A_670, %get3A_671] {strides = array<i32>} : memref<2x128x64xf32, #tpu.memory_space<vmem>>, vector<16xf32>,
        %get3A_673 = arith.constant 0 : i32
        %get3A_674 = arith.index_cast %get3A_673 : i32 to index
        %get3A_675 = arith.index_cast %add3A_667 : i32 to index
        %get3A_676 = arith.constant 16 : index
        %get3A_677 = tpu.vector_load %arg7[%get3A_674, %get3A_675, %get3A_676] {strides = array<i32>} : memref<2x128x64xf32, #tpu.memory_space<vmem>>, vector<16xf32>,
        %get3A_678 = arith.constant 0 : i32
        %get3A_679 = arith.index_cast %get3A_678 : i32 to index
        %get3A_680 = arith.index_cast %add3A_667 : i32 to index
        %get3A_681 = arith.constant 32 : index
        %get3A_682 = tpu.vector_load %arg7[%get3A_679, %get3A_680, %get3A_681] {strides = array<i32>} : memref<2x128x64xf32, #tpu.memory_space<vmem>>, vector<16xf32>,
        %get3A_683 = arith.constant 0 : i32
        %get3A_684 = arith.index_cast %get3A_683 : i32 to index
        %get3A_685 = arith.index_cast %add3A_667 : i32 to index
        %get3A_686 = arith.constant 48 : index
        %get3A_687 = tpu.vector_load %arg7[%get3A_684, %get3A_685, %get3A_686] {strides = array<i32>} : memref<2x128x64xf32, #tpu.memory_space<vmem>>, vector<16xf32>,
        %add3A_688 = arith.addf %scan3A_661, %get3A_672 : vector<16xf32>
        %add3A_689 = arith.addf %scan3A_662, %get3A_677 : vector<16xf32>
        %add3A_690 = arith.addf %scan3A_663, %get3A_682 : vector<16xf32>
        %add3A_691 = arith.addf %scan3A_664, %get3A_687 : vector<16xf32>
        %mul3A_692 = arith.mulf %get3A_672, %get3A_672 : vector<16xf32>
        %add3A_693 = arith.addf %scan3A_665, %mul3A_692 : vector<16xf32>
        %mul3A_694 = arith.mulf %get3A_677, %get3A_677 : vector<16xf32>
        %add3A_695 = arith.addf %add3A_693, %mul3A_694 : vector<16xf32>
        %mul3A_696 = arith.mulf %get3A_682, %get3A_682 : vector<16xf32>
        %add3A_697 = arith.addf %add3A_695, %mul3A_696 : vector<16xf32>
        %mul3A_698 = arith.mulf %get3A_687, %get3A_687 : vector<16xf32>
        %add3A_699 = arith.addf %add3A_697, %mul3A_698 : vector<16xf32>
        scf.yield %add3A_688, %add3A_689, %add3A_690, %add3A_691, %add3A_699 : vector<16xf32>, vector<16xf32>, vector<16xf32>, vector<16xf32>, vector<16xf32>
      }
      %scan3A_173 = arith.constant 30 : i32
      %add3A_174 = arith.addf %scan3A_172#0, %scan3A_172#1 : vector<16xf32>
      %add3A_175 = arith.addf %add3A_174, %scan3A_172#2 : vector<16xf32>
      %add3A_176 = arith.addf %add3A_175, %scan3A_172#3 : vector<16xf32>
      %reduce_sum3A = arith.constant true
      %reduce_sum3A_177 = vector.broadcast %reduce_sum3A : i1 to vector<16xi1>
      %reduce_sum3A_178 = tpu.scan <sum>, %add3A_176 masked %reduce_sum3A_177 : vector<16xf32>, vector<16xi1> -> vector<16xf32>
      %reduce_sum3A_179 = vector.extract %reduce_sum3A_178[15] : f32 from vector<16xf32>
      %mul3A_180 = arith.mulf %scan3A_172#0, %scan3A_172#0 : vector<16xf32>
      %mul3A_181 = arith.mulf %scan3A_172#1, %scan3A_172#1 : vector<16xf32>
      %add3A_182 = arith.addf %mul3A_180, %mul3A_181 : vector<16xf32>
      %mul3A_183 = arith.mulf %scan3A_172#2, %scan3A_172#2 : vector<16xf32>
      %add3A_184 = arith.addf %add3A_182, %mul3A_183 : vector<16xf32>
      %mul3A_185 = arith.mulf %scan3A_172#3, %scan3A_172#3 : vector<16xf32>
      %add3A_186 = arith.addf %add3A_184, %mul3A_185 : vector<16xf32>
      %reduce_sum3A_187 = arith.constant true
      %reduce_sum3A_188 = vector.broadcast %reduce_sum3A_187 : i1 to vector<16xi1>
      %reduce_sum3A_189 = tpu.scan <sum>, %add3A_186 masked %reduce_sum3A_188 : vector<16xf32>, vector<16xi1> -> vector<16xf32>
      %reduce_sum3A_190 = vector.extract %reduce_sum3A_189[15] : f32 from vector<16xf32>
      %reduce_sum3A_191 = arith.constant true
      %reduce_sum3A_192 = vector.broadcast %reduce_sum3A_191 : i1 to vector<16xi1>
      %reduce_sum3A_193 = tpu.scan <sum>, %scan3A_172#4 masked %reduce_sum3A_192 : vector<16xf32>, vector<16xi1> -> vector<16xf32>
      %reduce_sum3A_194 = vector.extract %reduce_sum3A_193[15] : f32 from vector<16xf32>
      %sub3A = arith.subf %reduce_sum3A_190, %reduce_sum3A_194 : f32
      %mul3A_195 = arith.constant 5.000000e-01 : f32
      %mul3A_196 = arith.mulf %mul3A_195, %sub3A : f32
      %add3A_197 = arith.addf %reduce_sum3A_179, %mul3A_196 : f32
      %mul3A_198 = arith.constant 4 : i32
      %mul3A_199 = arith.muli %mul3A_142, %mul3A_198 : i32
      %add3A_200 = arith.constant 0 : i32
      %add3A_201 = arith.addi %mul3A_199, %add3A_200 : i32
      %jit3A = arith.constant 16 : i32
      %eq3A = arith.constant 0 : i32
      %eq3A_202 = arith.cmpi eq, %jit3A, %eq3A : i32
      %jit3A_203 = arith.constant 1 : i32
      %select_n3A = arith.select %eq3A_202, %jit3A_203, %jit3A : i32
      %rem3A = arith.remsi %add3A_201, %select_n3A : i32
      %ne3A = arith.constant 0 : i32
      %ne3A_204 = arith.cmpi ne, %rem3A, %ne3A : i32
      %lt3A = arith.constant 0 : i32
      %lt3A_205 = arith.cmpi slt, %rem3A, %lt3A : i32
      %lt3A_206 = arith.constant 0 : i32
      %lt3A_207 = arith.cmpi slt, %select_n3A, %lt3A_206 : i32
      %ne3A_208 = arith.xori %lt3A_205, %lt3A_207 : i1
      %and3A = arith.andi %ne3A_208, %ne3A_204 : i1
      %add3A_209 = arith.addi %rem3A, %select_n3A : i32
      %select_n3A_210 = arith.select %and3A, %add3A_209, %rem3A : i32
      %eq3A_211 = vector.broadcast %select_n3A_210 : i32 to vector<16xi32>
      %eq3A_212 = arith.cmpi eq, %iota3A, %eq3A_211 : vector<16xi32>
      %broadcast_in_dim3A_213 = vector.broadcast %add3A_197 : f32 to vector<16xf32>
      %select_n3A_214 = arith.select %eq3A_212, %broadcast_in_dim3A_213, %scan3A_140 : vector<16xi1>, vector<16xf32>
      %broadcast_in_dim3A_215 = arith.constant 0.000000e+00 : f32
      %broadcast_in_dim3A_216 = vector.broadcast %broadcast_in_dim3A_215 : f32 to vector<16xf32>
      %scan3A_217 = arith.constant 0 : i32
      %scan3A_218 = arith.constant 30 : i32
      %scan3A_219 = arith.addi %scan3A_217, %scan3A_218 : i32
      %scan3A_220 = arith.constant 1 : i32
      %scan3A_221:5 = scf.for %scan3A_660 = %scan3A_217 to %scan3A_219 step %scan3A_220 iter_args(%scan3A_661 = %broadcast_in_dim3A_216, %scan3A_662 = %broadcast_in_dim3A_216, %scan3A_663 = %broadcast_in_dim3A_216, %scan3A_664 = %broadcast_in_dim3A_216, %scan3A_665 = %broadcast_in_dim3A_216) -> (vector<16xf32>, vector<16xf32>, vector<16xf32>, vector<16xf32>, vector<16xf32>)  : i32 {
        %add3A_666 = arith.constant 32 : i32
        %add3A_667 = arith.addi %add3A_666, %scan3A_660 : i32
        %get3A_668 = arith.constant 0 : i32
        %get3A_669 = arith.index_cast %get3A_668 : i32 to index
        %get3A_670 = arith.index_cast %add3A_667 : i32 to index
        %get3A_671 = arith.constant 0 : index
        %get3A_672 = tpu.vector_load %arg7[%get3A_669, %get3A_670, %get3A_671] {strides = array<i32>} : memref<2x128x64xf32, #tpu.memory_space<vmem>>, vector<16xf32>,
        %get3A_673 = arith.constant 0 : i32
        %get3A_674 = arith.index_cast %get3A_673 : i32 to index
        %get3A_675 = arith.index_cast %add3A_667 : i32 to index
        %get3A_676 = arith.constant 16 : index
        %get3A_677 = tpu.vector_load %arg7[%get3A_674, %get3A_675, %get3A_676] {strides = array<i32>} : memref<2x128x64xf32, #tpu.memory_space<vmem>>, vector<16xf32>,
        %get3A_678 = arith.constant 0 : i32
        %get3A_679 = arith.index_cast %get3A_678 : i32 to index
        %get3A_680 = arith.index_cast %add3A_667 : i32 to index
        %get3A_681 = arith.constant 32 : index
        %get3A_682 = tpu.vector_load %arg7[%get3A_679, %get3A_680, %get3A_681] {strides = array<i32>} : memref<2x128x64xf32, #tpu.memory_space<vmem>>, vector<16xf32>,
        %get3A_683 = arith.constant 0 : i32
        %get3A_684 = arith.index_cast %get3A_683 : i32 to index
        %get3A_685 = arith.index_cast %add3A_667 : i32 to index
        %get3A_686 = arith.constant 48 : index
        %get3A_687 = tpu.vector_load %arg7[%get3A_684, %get3A_685, %get3A_686] {strides = array<i32>} : memref<2x128x64xf32, #tpu.memory_space<vmem>>, vector<16xf32>,
        %add3A_688 = arith.addf %scan3A_661, %get3A_672 : vector<16xf32>
        %add3A_689 = arith.addf %scan3A_662, %get3A_677 : vector<16xf32>
        %add3A_690 = arith.addf %scan3A_663, %get3A_682 : vector<16xf32>
        %add3A_691 = arith.addf %scan3A_664, %get3A_687 : vector<16xf32>
        %mul3A_692 = arith.mulf %get3A_672, %get3A_672 : vector<16xf32>
        %add3A_693 = arith.addf %scan3A_665, %mul3A_692 : vector<16xf32>
        %mul3A_694 = arith.mulf %get3A_677, %get3A_677 : vector<16xf32>
        %add3A_695 = arith.addf %add3A_693, %mul3A_694 : vector<16xf32>
        %mul3A_696 = arith.mulf %get3A_682, %get3A_682 : vector<16xf32>
        %add3A_697 = arith.addf %add3A_695, %mul3A_696 : vector<16xf32>
        %mul3A_698 = arith.mulf %get3A_687, %get3A_687 : vector<16xf32>
        %add3A_699 = arith.addf %add3A_697, %mul3A_698 : vector<16xf32>
        scf.yield %add3A_688, %add3A_689, %add3A_690, %add3A_691, %add3A_699 : vector<16xf32>, vector<16xf32>, vector<16xf32>, vector<16xf32>, vector<16xf32>
      }
      %scan3A_222 = arith.constant 30 : i32
      %add3A_223 = arith.addf %scan3A_221#0, %scan3A_221#1 : vector<16xf32>
      %add3A_224 = arith.addf %add3A_223, %scan3A_221#2 : vector<16xf32>
      %add3A_225 = arith.addf %add3A_224, %scan3A_221#3 : vector<16xf32>
      %reduce_sum3A_226 = arith.constant true
      %reduce_sum3A_227 = vector.broadcast %reduce_sum3A_226 : i1 to vector<16xi1>
      %reduce_sum3A_228 = tpu.scan <sum>, %add3A_225 masked %reduce_sum3A_227 : vector<16xf32>, vector<16xi1> -> vector<16xf32>
      %reduce_sum3A_229 = vector.extract %reduce_sum3A_228[15] : f32 from vector<16xf32>
      %mul3A_230 = arith.mulf %scan3A_221#0, %scan3A_221#0 : vector<16xf32>
      %mul3A_231 = arith.mulf %scan3A_221#1, %scan3A_221#1 : vector<16xf32>
      %add3A_232 = arith.addf %mul3A_230, %mul3A_231 : vector<16xf32>
      %mul3A_233 = arith.mulf %scan3A_221#2, %scan3A_221#2 : vector<16xf32>
      %add3A_234 = arith.addf %add3A_232, %mul3A_233 : vector<16xf32>
      %mul3A_235 = arith.mulf %scan3A_221#3, %scan3A_221#3 : vector<16xf32>
      %add3A_236 = arith.addf %add3A_234, %mul3A_235 : vector<16xf32>
      %reduce_sum3A_237 = arith.constant true
      %reduce_sum3A_238 = vector.broadcast %reduce_sum3A_237 : i1 to vector<16xi1>
      %reduce_sum3A_239 = tpu.scan <sum>, %add3A_236 masked %reduce_sum3A_238 : vector<16xf32>, vector<16xi1> -> vector<16xf32>
      %reduce_sum3A_240 = vector.extract %reduce_sum3A_239[15] : f32 from vector<16xf32>
      %reduce_sum3A_241 = arith.constant true
      %reduce_sum3A_242 = vector.broadcast %reduce_sum3A_241 : i1 to vector<16xi1>
      %reduce_sum3A_243 = tpu.scan <sum>, %scan3A_221#4 masked %reduce_sum3A_242 : vector<16xf32>, vector<16xi1> -> vector<16xf32>
      %reduce_sum3A_244 = vector.extract %reduce_sum3A_243[15] : f32 from vector<16xf32>
      %sub3A_245 = arith.subf %reduce_sum3A_240, %reduce_sum3A_244 : f32
      %mul3A_246 = arith.constant 5.000000e-01 : f32
      %mul3A_247 = arith.mulf %mul3A_246, %sub3A_245 : f32
      %add3A_248 = arith.addf %reduce_sum3A_229, %mul3A_247 : f32
      %mul3A_249 = arith.constant 4 : i32
      %mul3A_250 = arith.muli %mul3A_142, %mul3A_249 : i32
      %add3A_251 = arith.constant 1 : i32
      %add3A_252 = arith.addi %mul3A_250, %add3A_251 : i32
      %jit3A_253 = arith.constant 16 : i32
      %eq3A_254 = arith.constant 0 : i32
      %eq3A_255 = arith.cmpi eq, %jit3A_253, %eq3A_254 : i32
      %jit3A_256 = arith.constant 1 : i32
      %select_n3A_257 = arith.select %eq3A_255, %jit3A_256, %jit3A_253 : i32
      %rem3A_258 = arith.remsi %add3A_252, %select_n3A_257 : i32
      %ne3A_259 = arith.constant 0 : i32
      %ne3A_260 = arith.cmpi ne, %rem3A_258, %ne3A_259 : i32
      %lt3A_261 = arith.constant 0 : i32
      %lt3A_262 = arith.cmpi slt, %rem3A_258, %lt3A_261 : i32
      %lt3A_263 = arith.constant 0 : i32
      %lt3A_264 = arith.cmpi slt, %select_n3A_257, %lt3A_263 : i32
      %ne3A_265 = arith.xori %lt3A_262, %lt3A_264 : i1
      %and3A_266 = arith.andi %ne3A_265, %ne3A_260 : i1
      %add3A_267 = arith.addi %rem3A_258, %select_n3A_257 : i32
      %select_n3A_268 = arith.select %and3A_266, %add3A_267, %rem3A_258 : i32
      %eq3A_269 = vector.broadcast %select_n3A_268 : i32 to vector<16xi32>
      %eq3A_270 = arith.cmpi eq, %iota3A, %eq3A_269 : vector<16xi32>
      %broadcast_in_dim3A_271 = vector.broadcast %add3A_248 : f32 to vector<16xf32>
      %select_n3A_272 = arith.select %eq3A_270, %broadcast_in_dim3A_271, %select_n3A_214 : vector<16xi1>, vector<16xf32>
      %broadcast_in_dim3A_273 = arith.constant 0.000000e+00 : f32
      %broadcast_in_dim3A_274 = vector.broadcast %broadcast_in_dim3A_273 : f32 to vector<16xf32>
      %scan3A_275 = arith.constant 0 : i32
      %scan3A_276 = arith.constant 30 : i32
      %scan3A_277 = arith.addi %scan3A_275, %scan3A_276 : i32
      %scan3A_278 = arith.constant 1 : i32
      %scan3A_279:5 = scf.for %scan3A_660 = %scan3A_275 to %scan3A_277 step %scan3A_278 iter_args(%scan3A_661 = %broadcast_in_dim3A_274, %scan3A_662 = %broadcast_in_dim3A_274, %scan3A_663 = %broadcast_in_dim3A_274, %scan3A_664 = %broadcast_in_dim3A_274, %scan3A_665 = %broadcast_in_dim3A_274) -> (vector<16xf32>, vector<16xf32>, vector<16xf32>, vector<16xf32>, vector<16xf32>)  : i32 {
        %add3A_666 = arith.constant 64 : i32
        %add3A_667 = arith.addi %add3A_666, %scan3A_660 : i32
        %get3A_668 = arith.constant 0 : i32
        %get3A_669 = arith.index_cast %get3A_668 : i32 to index
        %get3A_670 = arith.index_cast %add3A_667 : i32 to index
        %get3A_671 = arith.constant 0 : index
        %get3A_672 = tpu.vector_load %arg7[%get3A_669, %get3A_670, %get3A_671] {strides = array<i32>} : memref<2x128x64xf32, #tpu.memory_space<vmem>>, vector<16xf32>,
        %get3A_673 = arith.constant 0 : i32
        %get3A_674 = arith.index_cast %get3A_673 : i32 to index
        %get3A_675 = arith.index_cast %add3A_667 : i32 to index
        %get3A_676 = arith.constant 16 : index
        %get3A_677 = tpu.vector_load %arg7[%get3A_674, %get3A_675, %get3A_676] {strides = array<i32>} : memref<2x128x64xf32, #tpu.memory_space<vmem>>, vector<16xf32>,
        %get3A_678 = arith.constant 0 : i32
        %get3A_679 = arith.index_cast %get3A_678 : i32 to index
        %get3A_680 = arith.index_cast %add3A_667 : i32 to index
        %get3A_681 = arith.constant 32 : index
        %get3A_682 = tpu.vector_load %arg7[%get3A_679, %get3A_680, %get3A_681] {strides = array<i32>} : memref<2x128x64xf32, #tpu.memory_space<vmem>>, vector<16xf32>,
        %get3A_683 = arith.constant 0 : i32
        %get3A_684 = arith.index_cast %get3A_683 : i32 to index
        %get3A_685 = arith.index_cast %add3A_667 : i32 to index
        %get3A_686 = arith.constant 48 : index
        %get3A_687 = tpu.vector_load %arg7[%get3A_684, %get3A_685, %get3A_686] {strides = array<i32>} : memref<2x128x64xf32, #tpu.memory_space<vmem>>, vector<16xf32>,
        %add3A_688 = arith.addf %scan3A_661, %get3A_672 : vector<16xf32>
        %add3A_689 = arith.addf %scan3A_662, %get3A_677 : vector<16xf32>
        %add3A_690 = arith.addf %scan3A_663, %get3A_682 : vector<16xf32>
        %add3A_691 = arith.addf %scan3A_664, %get3A_687 : vector<16xf32>
        %mul3A_692 = arith.mulf %get3A_672, %get3A_672 : vector<16xf32>
        %add3A_693 = arith.addf %scan3A_665, %mul3A_692 : vector<16xf32>
        %mul3A_694 = arith.mulf %get3A_677, %get3A_677 : vector<16xf32>
        %add3A_695 = arith.addf %add3A_693, %mul3A_694 : vector<16xf32>
        %mul3A_696 = arith.mulf %get3A_682, %get3A_682 : vector<16xf32>
        %add3A_697 = arith.addf %add3A_695, %mul3A_696 : vector<16xf32>
        %mul3A_698 = arith.mulf %get3A_687, %get3A_687 : vector<16xf32>
        %add3A_699 = arith.addf %add3A_697, %mul3A_698 : vector<16xf32>
        scf.yield %add3A_688, %add3A_689, %add3A_690, %add3A_691, %add3A_699 : vector<16xf32>, vector<16xf32>, vector<16xf32>, vector<16xf32>, vector<16xf32>
      }
      %scan3A_280 = arith.constant 30 : i32
      %add3A_281 = arith.addf %scan3A_279#0, %scan3A_279#1 : vector<16xf32>
      %add3A_282 = arith.addf %add3A_281, %scan3A_279#2 : vector<16xf32>
      %add3A_283 = arith.addf %add3A_282, %scan3A_279#3 : vector<16xf32>
      %reduce_sum3A_284 = arith.constant true
      %reduce_sum3A_285 = vector.broadcast %reduce_sum3A_284 : i1 to vector<16xi1>
      %reduce_sum3A_286 = tpu.scan <sum>, %add3A_283 masked %reduce_sum3A_285 : vector<16xf32>, vector<16xi1> -> vector<16xf32>
      %reduce_sum3A_287 = vector.extract %reduce_sum3A_286[15] : f32 from vector<16xf32>
      %mul3A_288 = arith.mulf %scan3A_279#0, %scan3A_279#0 : vector<16xf32>
      %mul3A_289 = arith.mulf %scan3A_279#1, %scan3A_279#1 : vector<16xf32>
      %add3A_290 = arith.addf %mul3A_288, %mul3A_289 : vector<16xf32>
      %mul3A_291 = arith.mulf %scan3A_279#2, %scan3A_279#2 : vector<16xf32>
      %add3A_292 = arith.addf %add3A_290, %mul3A_291 : vector<16xf32>
      %mul3A_293 = arith.mulf %scan3A_279#3, %scan3A_279#3 : vector<16xf32>
      %add3A_294 = arith.addf %add3A_292, %mul3A_293 : vector<16xf32>
      %reduce_sum3A_295 = arith.constant true
      %reduce_sum3A_296 = vector.broadcast %reduce_sum3A_295 : i1 to vector<16xi1>
      %reduce_sum3A_297 = tpu.scan <sum>, %add3A_294 masked %reduce_sum3A_296 : vector<16xf32>, vector<16xi1> -> vector<16xf32>
      %reduce_sum3A_298 = vector.extract %reduce_sum3A_297[15] : f32 from vector<16xf32>
      %reduce_sum3A_299 = arith.constant true
      %reduce_sum3A_300 = vector.broadcast %reduce_sum3A_299 : i1 to vector<16xi1>
      %reduce_sum3A_301 = tpu.scan <sum>, %scan3A_279#4 masked %reduce_sum3A_300 : vector<16xf32>, vector<16xi1> -> vector<16xf32>
      %reduce_sum3A_302 = vector.extract %reduce_sum3A_301[15] : f32 from vector<16xf32>
      %sub3A_303 = arith.subf %reduce_sum3A_298, %reduce_sum3A_302 : f32
      %mul3A_304 = arith.constant 5.000000e-01 : f32
      %mul3A_305 = arith.mulf %mul3A_304, %sub3A_303 : f32
      %add3A_306 = arith.addf %reduce_sum3A_287, %mul3A_305 : f32
      %mul3A_307 = arith.constant 4 : i32
      %mul3A_308 = arith.muli %mul3A_142, %mul3A_307 : i32
      %add3A_309 = arith.constant 2 : i32
      %add3A_310 = arith.addi %mul3A_308, %add3A_309 : i32
      %jit3A_311 = arith.constant 16 : i32
      %eq3A_312 = arith.constant 0 : i32
      %eq3A_313 = arith.cmpi eq, %jit3A_311, %eq3A_312 : i32
      %jit3A_314 = arith.constant 1 : i32
      %select_n3A_315 = arith.select %eq3A_313, %jit3A_314, %jit3A_311 : i32
      %rem3A_316 = arith.remsi %add3A_310, %select_n3A_315 : i32
      %ne3A_317 = arith.constant 0 : i32
      %ne3A_318 = arith.cmpi ne, %rem3A_316, %ne3A_317 : i32
      %lt3A_319 = arith.constant 0 : i32
      %lt3A_320 = arith.cmpi slt, %rem3A_316, %lt3A_319 : i32
      %lt3A_321 = arith.constant 0 : i32
      %lt3A_322 = arith.cmpi slt, %select_n3A_315, %lt3A_321 : i32
      %ne3A_323 = arith.xori %lt3A_320, %lt3A_322 : i1
      %and3A_324 = arith.andi %ne3A_323, %ne3A_318 : i1
      %add3A_325 = arith.addi %rem3A_316, %select_n3A_315 : i32
      %select_n3A_326 = arith.select %and3A_324, %add3A_325, %rem3A_316 : i32
      %eq3A_327 = vector.broadcast %select_n3A_326 : i32 to vector<16xi32>
      %eq3A_328 = arith.cmpi eq, %iota3A, %eq3A_327 : vector<16xi32>
      %broadcast_in_dim3A_329 = vector.broadcast %add3A_306 : f32 to vector<16xf32>
      %select_n3A_330 = arith.select %eq3A_328, %broadcast_in_dim3A_329, %select_n3A_272 : vector<16xi1>, vector<16xf32>
      %broadcast_in_dim3A_331 = arith.constant 0.000000e+00 : f32
      %broadcast_in_dim3A_332 = vector.broadcast %broadcast_in_dim3A_331 : f32 to vector<16xf32>
      %scan3A_333 = arith.constant 0 : i32
      %scan3A_334 = arith.constant 30 : i32
      %scan3A_335 = arith.addi %scan3A_333, %scan3A_334 : i32
      %scan3A_336 = arith.constant 1 : i32
      %scan3A_337:5 = scf.for %scan3A_660 = %scan3A_333 to %scan3A_335 step %scan3A_336 iter_args(%scan3A_661 = %broadcast_in_dim3A_332, %scan3A_662 = %broadcast_in_dim3A_332, %scan3A_663 = %broadcast_in_dim3A_332, %scan3A_664 = %broadcast_in_dim3A_332, %scan3A_665 = %broadcast_in_dim3A_332) -> (vector<16xf32>, vector<16xf32>, vector<16xf32>, vector<16xf32>, vector<16xf32>)  : i32 {
        %add3A_666 = arith.constant 96 : i32
        %add3A_667 = arith.addi %add3A_666, %scan3A_660 : i32
        %get3A_668 = arith.constant 0 : i32
        %get3A_669 = arith.index_cast %get3A_668 : i32 to index
        %get3A_670 = arith.index_cast %add3A_667 : i32 to index
        %get3A_671 = arith.constant 0 : index
        %get3A_672 = tpu.vector_load %arg7[%get3A_669, %get3A_670, %get3A_671] {strides = array<i32>} : memref<2x128x64xf32, #tpu.memory_space<vmem>>, vector<16xf32>,
        %get3A_673 = arith.constant 0 : i32
        %get3A_674 = arith.index_cast %get3A_673 : i32 to index
        %get3A_675 = arith.index_cast %add3A_667 : i32 to index
        %get3A_676 = arith.constant 16 : index
        %get3A_677 = tpu.vector_load %arg7[%get3A_674, %get3A_675, %get3A_676] {strides = array<i32>} : memref<2x128x64xf32, #tpu.memory_space<vmem>>, vector<16xf32>,
        %get3A_678 = arith.constant 0 : i32
        %get3A_679 = arith.index_cast %get3A_678 : i32 to index
        %get3A_680 = arith.index_cast %add3A_667 : i32 to index
        %get3A_681 = arith.constant 32 : index
        %get3A_682 = tpu.vector_load %arg7[%get3A_679, %get3A_680, %get3A_681] {strides = array<i32>} : memref<2x128x64xf32, #tpu.memory_space<vmem>>, vector<16xf32>,
        %get3A_683 = arith.constant 0 : i32
        %get3A_684 = arith.index_cast %get3A_683 : i32 to index
        %get3A_685 = arith.index_cast %add3A_667 : i32 to index
        %get3A_686 = arith.constant 48 : index
        %get3A_687 = tpu.vector_load %arg7[%get3A_684, %get3A_685, %get3A_686] {strides = array<i32>} : memref<2x128x64xf32, #tpu.memory_space<vmem>>, vector<16xf32>,
        %add3A_688 = arith.addf %scan3A_661, %get3A_672 : vector<16xf32>
        %add3A_689 = arith.addf %scan3A_662, %get3A_677 : vector<16xf32>
        %add3A_690 = arith.addf %scan3A_663, %get3A_682 : vector<16xf32>
        %add3A_691 = arith.addf %scan3A_664, %get3A_687 : vector<16xf32>
        %mul3A_692 = arith.mulf %get3A_672, %get3A_672 : vector<16xf32>
        %add3A_693 = arith.addf %scan3A_665, %mul3A_692 : vector<16xf32>
        %mul3A_694 = arith.mulf %get3A_677, %get3A_677 : vector<16xf32>
        %add3A_695 = arith.addf %add3A_693, %mul3A_694 : vector<16xf32>
        %mul3A_696 = arith.mulf %get3A_682, %get3A_682 : vector<16xf32>
        %add3A_697 = arith.addf %add3A_695, %mul3A_696 : vector<16xf32>
        %mul3A_698 = arith.mulf %get3A_687, %get3A_687 : vector<16xf32>
        %add3A_699 = arith.addf %add3A_697, %mul3A_698 : vector<16xf32>
        scf.yield %add3A_688, %add3A_689, %add3A_690, %add3A_691, %add3A_699 : vector<16xf32>, vector<16xf32>, vector<16xf32>, vector<16xf32>, vector<16xf32>
      }
      %scan3A_338 = arith.constant 30 : i32
      %add3A_339 = arith.addf %scan3A_337#0, %scan3A_337#1 : vector<16xf32>
      %add3A_340 = arith.addf %add3A_339, %scan3A_337#2 : vector<16xf32>
      %add3A_341 = arith.addf %add3A_340, %scan3A_337#3 : vector<16xf32>
      %reduce_sum3A_342 = arith.constant true
      %reduce_sum3A_343 = vector.broadcast %reduce_sum3A_342 : i1 to vector<16xi1>
      %reduce_sum3A_344 = tpu.scan <sum>, %add3A_341 masked %reduce_sum3A_343 : vector<16xf32>, vector<16xi1> -> vector<16xf32>
      %reduce_sum3A_345 = vector.extract %reduce_sum3A_344[15] : f32 from vector<16xf32>
      %mul3A_346 = arith.mulf %scan3A_337#0, %scan3A_337#0 : vector<16xf32>
      %mul3A_347 = arith.mulf %scan3A_337#1, %scan3A_337#1 : vector<16xf32>
      %add3A_348 = arith.addf %mul3A_346, %mul3A_347 : vector<16xf32>
      %mul3A_349 = arith.mulf %scan3A_337#2, %scan3A_337#2 : vector<16xf32>
      %add3A_350 = arith.addf %add3A_348, %mul3A_349 : vector<16xf32>
      %mul3A_351 = arith.mulf %scan3A_337#3, %scan3A_337#3 : vector<16xf32>
      %add3A_352 = arith.addf %add3A_350, %mul3A_351 : vector<16xf32>
      %reduce_sum3A_353 = arith.constant true
      %reduce_sum3A_354 = vector.broadcast %reduce_sum3A_353 : i1 to vector<16xi1>
      %reduce_sum3A_355 = tpu.scan <sum>, %add3A_352 masked %reduce_sum3A_354 : vector<16xf32>, vector<16xi1> -> vector<16xf32>
      %reduce_sum3A_356 = vector.extract %reduce_sum3A_355[15] : f32 from vector<16xf32>
      %reduce_sum3A_357 = arith.constant true
      %reduce_sum3A_358 = vector.broadcast %reduce_sum3A_357 : i1 to vector<16xi1>
      %reduce_sum3A_359 = tpu.scan <sum>, %scan3A_337#4 masked %reduce_sum3A_358 : vector<16xf32>, vector<16xi1> -> vector<16xf32>
      %reduce_sum3A_360 = vector.extract %reduce_sum3A_359[15] : f32 from vector<16xf32>
      %sub3A_361 = arith.subf %reduce_sum3A_356, %reduce_sum3A_360 : f32
      %mul3A_362 = arith.constant 5.000000e-01 : f32
      %mul3A_363 = arith.mulf %mul3A_362, %sub3A_361 : f32
      %add3A_364 = arith.addf %reduce_sum3A_345, %mul3A_363 : f32
      %mul3A_365 = arith.constant 4 : i32
      %mul3A_366 = arith.muli %mul3A_142, %mul3A_365 : i32
      %add3A_367 = arith.constant 3 : i32
      %add3A_368 = arith.addi %mul3A_366, %add3A_367 : i32
      %jit3A_369 = arith.constant 16 : i32
      %eq3A_370 = arith.constant 0 : i32
      %eq3A_371 = arith.cmpi eq, %jit3A_369, %eq3A_370 : i32
      %jit3A_372 = arith.constant 1 : i32
      %select_n3A_373 = arith.select %eq3A_371, %jit3A_372, %jit3A_369 : i32
      %rem3A_374 = arith.remsi %add3A_368, %select_n3A_373 : i32
      %ne3A_375 = arith.constant 0 : i32
      %ne3A_376 = arith.cmpi ne, %rem3A_374, %ne3A_375 : i32
      %lt3A_377 = arith.constant 0 : i32
      %lt3A_378 = arith.cmpi slt, %rem3A_374, %lt3A_377 : i32
      %lt3A_379 = arith.constant 0 : i32
      %lt3A_380 = arith.cmpi slt, %select_n3A_373, %lt3A_379 : i32
      %ne3A_381 = arith.xori %lt3A_378, %lt3A_380 : i1
      %and3A_382 = arith.andi %ne3A_381, %ne3A_376 : i1
      %add3A_383 = arith.addi %rem3A_374, %select_n3A_373 : i32
      %select_n3A_384 = arith.select %and3A_382, %add3A_383, %rem3A_374 : i32
      %eq3A_385 = vector.broadcast %select_n3A_384 : i32 to vector<16xi32>
      %eq3A_386 = arith.cmpi eq, %iota3A, %eq3A_385 : vector<16xi32>
      %broadcast_in_dim3A_387 = vector.broadcast %add3A_364 : f32 to vector<16xf32>
      %select_n3A_388 = arith.select %eq3A_386, %broadcast_in_dim3A_387, %select_n3A_330 : vector<16xi1>, vector<16xf32>
      %lt3A_389 = arith.constant 15 : i32
      %lt3A_390 = arith.cmpi slt, %scan3A_139, %lt3A_389 : i32
      %convert_element_type3A = arith.extui %lt3A_390 : i1 to i32
      %cond3A = arith.constant 0 : i32
      %cond3A_391 = arith.cmpi ne, %convert_element_type3A, %cond3A : i32
      scf.if %cond3A_391 {
        %add3A_660 = arith.constant 2 : i32
        %add3A_661 = arith.addi %mul3A_142, %add3A_660 : i32
        %dma_start3A_662 = arith.constant 0 : i32
        %dma_start3A_663 = arith.constant 0 : i32
        %dma_start3A_664 = arith.constant 0 : i32
        %dma_start3A_665 = tpu.memref_slice %arg7[%dma_start3A_662, %dma_start3A_663, %dma_start3A_664] : memref<2x128x64xf32, #tpu.memory_space<vmem>> -> memref<1x128x64xf32, #tpu.memory_space<vmem>>
        %dma_start3A_666 = tpu.memref_squeeze %dma_start3A_665 : memref<1x128x64xf32, #tpu.memory_space<vmem>> -> memref<128x64xf32, #tpu.memory_space<vmem>>
        %dma_start3A_667 = arith.constant 0 : i32
        %dma_start3A_668 = tpu.memref_slice %arg6[%add3A_661, %dma_start3A_667] : memref<32x128xi32, #tpu.memory_space<vmem>> -> memref<1x128xi32, #tpu.memory_space<vmem>>
        %dma_start3A_669 = tpu.memref_squeeze %dma_start3A_668 : memref<1x128xi32, #tpu.memory_space<vmem>> -> memref<128xi32, #tpu.memory_space<vmem>>
        %dma_start3A_670 = arith.constant 0 : i32
        %dma_start3A_671 = arith.constant 0 : i32
        %dma_start3A_672 = tpu.memref_slice %arg3[%dma_start3A_670, %dma_start3A_671] : memref<300000x64xf32, #tpu.memory_space<hbm>> -> memref<300000x64xf32, #tpu.memory_space<hbm>>
        tpu.enqueue_indirect_dma source(%dma_start3A_672 : memref<300000x64xf32, #tpu.memory_space<hbm>>) target(%dma_start3A_666 : memref<128x64xf32, #tpu.memory_space<vmem>>) offsets(%dma_start3A_669 : memref<128xi32, #tpu.memory_space<vmem>>) semaphore(%arg10 : memref<!tpu.dma_semaphore, #tpu.memory_space<semaphore_mem>>)
      } else {
      }
      %add3A_392 = arith.constant 1 : i32
      %add3A_393 = arith.addi %mul3A_142, %add3A_392 : i32
      %dma_wait3A_394 = arith.constant 1 : i32
      %dma_wait3A_395 = arith.constant 0 : i32
      %dma_wait3A_396 = arith.constant 0 : i32
      %dma_wait3A_397 = tpu.memref_slice %arg7[%dma_wait3A_394, %dma_wait3A_395, %dma_wait3A_396] : memref<2x128x64xf32, #tpu.memory_space<vmem>> -> memref<1x128x64xf32, #tpu.memory_space<vmem>>
      %dma_wait3A_398 = tpu.memref_squeeze %dma_wait3A_397 : memref<1x128x64xf32, #tpu.memory_space<vmem>> -> memref<128x64xf32, #tpu.memory_space<vmem>>
      %dma_wait3A_399 = arith.constant 0 : i32
      %dma_wait3A_400 = tpu.memref_slice %arg6[%add3A_393, %dma_wait3A_399] : memref<32x128xi32, #tpu.memory_space<vmem>> -> memref<1x128xi32, #tpu.memory_space<vmem>>
      %dma_wait3A_401 = tpu.memref_squeeze %dma_wait3A_400 : memref<1x128xi32, #tpu.memory_space<vmem>> -> memref<128xi32, #tpu.memory_space<vmem>>
      %dma_wait3A_402 = arith.constant 0 : i32
      %dma_wait3A_403 = arith.constant 0 : i32
      %dma_wait3A_404 = tpu.memref_slice %arg3[%dma_wait3A_402, %dma_wait3A_403] : memref<300000x64xf32, #tpu.memory_space<hbm>> -> memref<300000x64xf32, #tpu.memory_space<hbm>>
      tpu.wait_indirect_dma semaphore(%arg11 : memref<!tpu.dma_semaphore, #tpu.memory_space<semaphore_mem>>) src(%dma_wait3A_404 : memref<300000x64xf32, #tpu.memory_space<hbm>>) dst(%dma_wait3A_398 : memref<128x64xf32, #tpu.memory_space<vmem>>)
      %add3A_405 = arith.constant 1 : i32
      %add3A_406 = arith.addi %mul3A_142, %add3A_405 : i32
      %broadcast_in_dim3A_407 = arith.constant 0.000000e+00 : f32
      %broadcast_in_dim3A_408 = vector.broadcast %broadcast_in_dim3A_407 : f32 to vector<16xf32>
      %scan3A_409 = arith.constant 0 : i32
      %scan3A_410 = arith.constant 30 : i32
      %scan3A_411 = arith.addi %scan3A_409, %scan3A_410 : i32
      %scan3A_412 = arith.constant 1 : i32
      %scan3A_413:5 = scf.for %scan3A_660 = %scan3A_409 to %scan3A_411 step %scan3A_412 iter_args(%scan3A_661 = %broadcast_in_dim3A_408, %scan3A_662 = %broadcast_in_dim3A_408, %scan3A_663 = %broadcast_in_dim3A_408, %scan3A_664 = %broadcast_in_dim3A_408, %scan3A_665 = %broadcast_in_dim3A_408) -> (vector<16xf32>, vector<16xf32>, vector<16xf32>, vector<16xf32>, vector<16xf32>)  : i32 {
        %add3A_666 = arith.constant 0 : i32
        %add3A_667 = arith.addi %add3A_666, %scan3A_660 : i32
        %get3A_668 = arith.constant 1 : i32
        %get3A_669 = arith.index_cast %get3A_668 : i32 to index
        %get3A_670 = arith.index_cast %add3A_667 : i32 to index
        %get3A_671 = arith.constant 0 : index
        %get3A_672 = tpu.vector_load %arg7[%get3A_669, %get3A_670, %get3A_671] {strides = array<i32>} : memref<2x128x64xf32, #tpu.memory_space<vmem>>, vector<16xf32>,
        %get3A_673 = arith.constant 1 : i32
        %get3A_674 = arith.index_cast %get3A_673 : i32 to index
        %get3A_675 = arith.index_cast %add3A_667 : i32 to index
        %get3A_676 = arith.constant 16 : index
        %get3A_677 = tpu.vector_load %arg7[%get3A_674, %get3A_675, %get3A_676] {strides = array<i32>} : memref<2x128x64xf32, #tpu.memory_space<vmem>>, vector<16xf32>,
        %get3A_678 = arith.constant 1 : i32
        %get3A_679 = arith.index_cast %get3A_678 : i32 to index
        %get3A_680 = arith.index_cast %add3A_667 : i32 to index
        %get3A_681 = arith.constant 32 : index
        %get3A_682 = tpu.vector_load %arg7[%get3A_679, %get3A_680, %get3A_681] {strides = array<i32>} : memref<2x128x64xf32, #tpu.memory_space<vmem>>, vector<16xf32>,
        %get3A_683 = arith.constant 1 : i32
        %get3A_684 = arith.index_cast %get3A_683 : i32 to index
        %get3A_685 = arith.index_cast %add3A_667 : i32 to index
        %get3A_686 = arith.constant 48 : index
        %get3A_687 = tpu.vector_load %arg7[%get3A_684, %get3A_685, %get3A_686] {strides = array<i32>} : memref<2x128x64xf32, #tpu.memory_space<vmem>>, vector<16xf32>,
        %add3A_688 = arith.addf %scan3A_661, %get3A_672 : vector<16xf32>
        %add3A_689 = arith.addf %scan3A_662, %get3A_677 : vector<16xf32>
        %add3A_690 = arith.addf %scan3A_663, %get3A_682 : vector<16xf32>
        %add3A_691 = arith.addf %scan3A_664, %get3A_687 : vector<16xf32>
        %mul3A_692 = arith.mulf %get3A_672, %get3A_672 : vector<16xf32>
        %add3A_693 = arith.addf %scan3A_665, %mul3A_692 : vector<16xf32>
        %mul3A_694 = arith.mulf %get3A_677, %get3A_677 : vector<16xf32>
        %add3A_695 = arith.addf %add3A_693, %mul3A_694 : vector<16xf32>
        %mul3A_696 = arith.mulf %get3A_682, %get3A_682 : vector<16xf32>
        %add3A_697 = arith.addf %add3A_695, %mul3A_696 : vector<16xf32>
        %mul3A_698 = arith.mulf %get3A_687, %get3A_687 : vector<16xf32>
        %add3A_699 = arith.addf %add3A_697, %mul3A_698 : vector<16xf32>
        scf.yield %add3A_688, %add3A_689, %add3A_690, %add3A_691, %add3A_699 : vector<16xf32>, vector<16xf32>, vector<16xf32>, vector<16xf32>, vector<16xf32>
      }
      %scan3A_414 = arith.constant 30 : i32
      %add3A_415 = arith.addf %scan3A_413#0, %scan3A_413#1 : vector<16xf32>
      %add3A_416 = arith.addf %add3A_415, %scan3A_413#2 : vector<16xf32>
      %add3A_417 = arith.addf %add3A_416, %scan3A_413#3 : vector<16xf32>
      %reduce_sum3A_418 = arith.constant true
      %reduce_sum3A_419 = vector.broadcast %reduce_sum3A_418 : i1 to vector<16xi1>
      %reduce_sum3A_420 = tpu.scan <sum>, %add3A_417 masked %reduce_sum3A_419 : vector<16xf32>, vector<16xi1> -> vector<16xf32>
      %reduce_sum3A_421 = vector.extract %reduce_sum3A_420[15] : f32 from vector<16xf32>
      %mul3A_422 = arith.mulf %scan3A_413#0, %scan3A_413#0 : vector<16xf32>
      %mul3A_423 = arith.mulf %scan3A_413#1, %scan3A_413#1 : vector<16xf32>
      %add3A_424 = arith.addf %mul3A_422, %mul3A_423 : vector<16xf32>
      %mul3A_425 = arith.mulf %scan3A_413#2, %scan3A_413#2 : vector<16xf32>
      %add3A_426 = arith.addf %add3A_424, %mul3A_425 : vector<16xf32>
      %mul3A_427 = arith.mulf %scan3A_413#3, %scan3A_413#3 : vector<16xf32>
      %add3A_428 = arith.addf %add3A_426, %mul3A_427 : vector<16xf32>
      %reduce_sum3A_429 = arith.constant true
      %reduce_sum3A_430 = vector.broadcast %reduce_sum3A_429 : i1 to vector<16xi1>
      %reduce_sum3A_431 = tpu.scan <sum>, %add3A_428 masked %reduce_sum3A_430 : vector<16xf32>, vector<16xi1> -> vector<16xf32>
      %reduce_sum3A_432 = vector.extract %reduce_sum3A_431[15] : f32 from vector<16xf32>
      %reduce_sum3A_433 = arith.constant true
      %reduce_sum3A_434 = vector.broadcast %reduce_sum3A_433 : i1 to vector<16xi1>
      %reduce_sum3A_435 = tpu.scan <sum>, %scan3A_413#4 masked %reduce_sum3A_434 : vector<16xf32>, vector<16xi1> -> vector<16xf32>
      %reduce_sum3A_436 = vector.extract %reduce_sum3A_435[15] : f32 from vector<16xf32>
      %sub3A_437 = arith.subf %reduce_sum3A_432, %reduce_sum3A_436 : f32
      %mul3A_438 = arith.constant 5.000000e-01 : f32
      %mul3A_439 = arith.mulf %mul3A_438, %sub3A_437 : f32
      %add3A_440 = arith.addf %reduce_sum3A_421, %mul3A_439 : f32
      %mul3A_441 = arith.constant 4 : i32
      %mul3A_442 = arith.muli %add3A_406, %mul3A_441 : i32
      %add3A_443 = arith.constant 0 : i32
      %add3A_444 = arith.addi %mul3A_442, %add3A_443 : i32
      %jit3A_445 = arith.constant 16 : i32
      %eq3A_446 = arith.constant 0 : i32
      %eq3A_447 = arith.cmpi eq, %jit3A_445, %eq3A_446 : i32
      %jit3A_448 = arith.constant 1 : i32
      %select_n3A_449 = arith.select %eq3A_447, %jit3A_448, %jit3A_445 : i32
      %rem3A_450 = arith.remsi %add3A_444, %select_n3A_449 : i32
      %ne3A_451 = arith.constant 0 : i32
      %ne3A_452 = arith.cmpi ne, %rem3A_450, %ne3A_451 : i32
      %lt3A_453 = arith.constant 0 : i32
      %lt3A_454 = arith.cmpi slt, %rem3A_450, %lt3A_453 : i32
      %lt3A_455 = arith.constant 0 : i32
      %lt3A_456 = arith.cmpi slt, %select_n3A_449, %lt3A_455 : i32
      %ne3A_457 = arith.xori %lt3A_454, %lt3A_456 : i1
      %and3A_458 = arith.andi %ne3A_457, %ne3A_452 : i1
      %add3A_459 = arith.addi %rem3A_450, %select_n3A_449 : i32
      %select_n3A_460 = arith.select %and3A_458, %add3A_459, %rem3A_450 : i32
      %eq3A_461 = vector.broadcast %select_n3A_460 : i32 to vector<16xi32>
      %eq3A_462 = arith.cmpi eq, %iota3A, %eq3A_461 : vector<16xi32>
      %broadcast_in_dim3A_463 = vector.broadcast %add3A_440 : f32 to vector<16xf32>
      %select_n3A_464 = arith.select %eq3A_462, %broadcast_in_dim3A_463, %select_n3A_388 : vector<16xi1>, vector<16xf32>
      %broadcast_in_dim3A_465 = arith.constant 0.000000e+00 : f32
      %broadcast_in_dim3A_466 = vector.broadcast %broadcast_in_dim3A_465 : f32 to vector<16xf32>
      %scan3A_467 = arith.constant 0 : i32
      %scan3A_468 = arith.constant 30 : i32
      %scan3A_469 = arith.addi %scan3A_467, %scan3A_468 : i32
      %scan3A_470 = arith.constant 1 : i32
      %scan3A_471:5 = scf.for %scan3A_660 = %scan3A_467 to %scan3A_469 step %scan3A_470 iter_args(%scan3A_661 = %broadcast_in_dim3A_466, %scan3A_662 = %broadcast_in_dim3A_466, %scan3A_663 = %broadcast_in_dim3A_466, %scan3A_664 = %broadcast_in_dim3A_466, %scan3A_665 = %broadcast_in_dim3A_466) -> (vector<16xf32>, vector<16xf32>, vector<16xf32>, vector<16xf32>, vector<16xf32>)  : i32 {
        %add3A_666 = arith.constant 32 : i32
        %add3A_667 = arith.addi %add3A_666, %scan3A_660 : i32
        %get3A_668 = arith.constant 1 : i32
        %get3A_669 = arith.index_cast %get3A_668 : i32 to index
        %get3A_670 = arith.index_cast %add3A_667 : i32 to index
        %get3A_671 = arith.constant 0 : index
        %get3A_672 = tpu.vector_load %arg7[%get3A_669, %get3A_670, %get3A_671] {strides = array<i32>} : memref<2x128x64xf32, #tpu.memory_space<vmem>>, vector<16xf32>,
        %get3A_673 = arith.constant 1 : i32
        %get3A_674 = arith.index_cast %get3A_673 : i32 to index
        %get3A_675 = arith.index_cast %add3A_667 : i32 to index
        %get3A_676 = arith.constant 16 : index
        %get3A_677 = tpu.vector_load %arg7[%get3A_674, %get3A_675, %get3A_676] {strides = array<i32>} : memref<2x128x64xf32, #tpu.memory_space<vmem>>, vector<16xf32>,
        %get3A_678 = arith.constant 1 : i32
        %get3A_679 = arith.index_cast %get3A_678 : i32 to index
        %get3A_680 = arith.index_cast %add3A_667 : i32 to index
        %get3A_681 = arith.constant 32 : index
        %get3A_682 = tpu.vector_load %arg7[%get3A_679, %get3A_680, %get3A_681] {strides = array<i32>} : memref<2x128x64xf32, #tpu.memory_space<vmem>>, vector<16xf32>,
        %get3A_683 = arith.constant 1 : i32
        %get3A_684 = arith.index_cast %get3A_683 : i32 to index
        %get3A_685 = arith.index_cast %add3A_667 : i32 to index
        %get3A_686 = arith.constant 48 : index
        %get3A_687 = tpu.vector_load %arg7[%get3A_684, %get3A_685, %get3A_686] {strides = array<i32>} : memref<2x128x64xf32, #tpu.memory_space<vmem>>, vector<16xf32>,
        %add3A_688 = arith.addf %scan3A_661, %get3A_672 : vector<16xf32>
        %add3A_689 = arith.addf %scan3A_662, %get3A_677 : vector<16xf32>
        %add3A_690 = arith.addf %scan3A_663, %get3A_682 : vector<16xf32>
        %add3A_691 = arith.addf %scan3A_664, %get3A_687 : vector<16xf32>
        %mul3A_692 = arith.mulf %get3A_672, %get3A_672 : vector<16xf32>
        %add3A_693 = arith.addf %scan3A_665, %mul3A_692 : vector<16xf32>
        %mul3A_694 = arith.mulf %get3A_677, %get3A_677 : vector<16xf32>
        %add3A_695 = arith.addf %add3A_693, %mul3A_694 : vector<16xf32>
        %mul3A_696 = arith.mulf %get3A_682, %get3A_682 : vector<16xf32>
        %add3A_697 = arith.addf %add3A_695, %mul3A_696 : vector<16xf32>
        %mul3A_698 = arith.mulf %get3A_687, %get3A_687 : vector<16xf32>
        %add3A_699 = arith.addf %add3A_697, %mul3A_698 : vector<16xf32>
        scf.yield %add3A_688, %add3A_689, %add3A_690, %add3A_691, %add3A_699 : vector<16xf32>, vector<16xf32>, vector<16xf32>, vector<16xf32>, vector<16xf32>
      }
      %scan3A_472 = arith.constant 30 : i32
      %add3A_473 = arith.addf %scan3A_471#0, %scan3A_471#1 : vector<16xf32>
      %add3A_474 = arith.addf %add3A_473, %scan3A_471#2 : vector<16xf32>
      %add3A_475 = arith.addf %add3A_474, %scan3A_471#3 : vector<16xf32>
      %reduce_sum3A_476 = arith.constant true
      %reduce_sum3A_477 = vector.broadcast %reduce_sum3A_476 : i1 to vector<16xi1>
      %reduce_sum3A_478 = tpu.scan <sum>, %add3A_475 masked %reduce_sum3A_477 : vector<16xf32>, vector<16xi1> -> vector<16xf32>
      %reduce_sum3A_479 = vector.extract %reduce_sum3A_478[15] : f32 from vector<16xf32>
      %mul3A_480 = arith.mulf %scan3A_471#0, %scan3A_471#0 : vector<16xf32>
      %mul3A_481 = arith.mulf %scan3A_471#1, %scan3A_471#1 : vector<16xf32>
      %add3A_482 = arith.addf %mul3A_480, %mul3A_481 : vector<16xf32>
      %mul3A_483 = arith.mulf %scan3A_471#2, %scan3A_471#2 : vector<16xf32>
      %add3A_484 = arith.addf %add3A_482, %mul3A_483 : vector<16xf32>
      %mul3A_485 = arith.mulf %scan3A_471#3, %scan3A_471#3 : vector<16xf32>
      %add3A_486 = arith.addf %add3A_484, %mul3A_485 : vector<16xf32>
      %reduce_sum3A_487 = arith.constant true
      %reduce_sum3A_488 = vector.broadcast %reduce_sum3A_487 : i1 to vector<16xi1>
      %reduce_sum3A_489 = tpu.scan <sum>, %add3A_486 masked %reduce_sum3A_488 : vector<16xf32>, vector<16xi1> -> vector<16xf32>
      %reduce_sum3A_490 = vector.extract %reduce_sum3A_489[15] : f32 from vector<16xf32>
      %reduce_sum3A_491 = arith.constant true
      %reduce_sum3A_492 = vector.broadcast %reduce_sum3A_491 : i1 to vector<16xi1>
      %reduce_sum3A_493 = tpu.scan <sum>, %scan3A_471#4 masked %reduce_sum3A_492 : vector<16xf32>, vector<16xi1> -> vector<16xf32>
      %reduce_sum3A_494 = vector.extract %reduce_sum3A_493[15] : f32 from vector<16xf32>
      %sub3A_495 = arith.subf %reduce_sum3A_490, %reduce_sum3A_494 : f32
      %mul3A_496 = arith.constant 5.000000e-01 : f32
      %mul3A_497 = arith.mulf %mul3A_496, %sub3A_495 : f32
      %add3A_498 = arith.addf %reduce_sum3A_479, %mul3A_497 : f32
      %mul3A_499 = arith.constant 4 : i32
      %mul3A_500 = arith.muli %add3A_406, %mul3A_499 : i32
      %add3A_501 = arith.constant 1 : i32
      %add3A_502 = arith.addi %mul3A_500, %add3A_501 : i32
      %jit3A_503 = arith.constant 16 : i32
      %eq3A_504 = arith.constant 0 : i32
      %eq3A_505 = arith.cmpi eq, %jit3A_503, %eq3A_504 : i32
      %jit3A_506 = arith.constant 1 : i32
      %select_n3A_507 = arith.select %eq3A_505, %jit3A_506, %jit3A_503 : i32
      %rem3A_508 = arith.remsi %add3A_502, %select_n3A_507 : i32
      %ne3A_509 = arith.constant 0 : i32
      %ne3A_510 = arith.cmpi ne, %rem3A_508, %ne3A_509 : i32
      %lt3A_511 = arith.constant 0 : i32
      %lt3A_512 = arith.cmpi slt, %rem3A_508, %lt3A_511 : i32
      %lt3A_513 = arith.constant 0 : i32
      %lt3A_514 = arith.cmpi slt, %select_n3A_507, %lt3A_513 : i32
      %ne3A_515 = arith.xori %lt3A_512, %lt3A_514 : i1
      %and3A_516 = arith.andi %ne3A_515, %ne3A_510 : i1
      %add3A_517 = arith.addi %rem3A_508, %select_n3A_507 : i32
      %select_n3A_518 = arith.select %and3A_516, %add3A_517, %rem3A_508 : i32
      %eq3A_519 = vector.broadcast %select_n3A_518 : i32 to vector<16xi32>
      %eq3A_520 = arith.cmpi eq, %iota3A, %eq3A_519 : vector<16xi32>
      %broadcast_in_dim3A_521 = vector.broadcast %add3A_498 : f32 to vector<16xf32>
      %select_n3A_522 = arith.select %eq3A_520, %broadcast_in_dim3A_521, %select_n3A_464 : vector<16xi1>, vector<16xf32>
      %broadcast_in_dim3A_523 = arith.constant 0.000000e+00 : f32
      %broadcast_in_dim3A_524 = vector.broadcast %broadcast_in_dim3A_523 : f32 to vector<16xf32>
      %scan3A_525 = arith.constant 0 : i32
      %scan3A_526 = arith.constant 30 : i32
      %scan3A_527 = arith.addi %scan3A_525, %scan3A_526 : i32
      %scan3A_528 = arith.constant 1 : i32
      %scan3A_529:5 = scf.for %scan3A_660 = %scan3A_525 to %scan3A_527 step %scan3A_528 iter_args(%scan3A_661 = %broadcast_in_dim3A_524, %scan3A_662 = %broadcast_in_dim3A_524, %scan3A_663 = %broadcast_in_dim3A_524, %scan3A_664 = %broadcast_in_dim3A_524, %scan3A_665 = %broadcast_in_dim3A_524) -> (vector<16xf32>, vector<16xf32>, vector<16xf32>, vector<16xf32>, vector<16xf32>)  : i32 {
        %add3A_666 = arith.constant 64 : i32
        %add3A_667 = arith.addi %add3A_666, %scan3A_660 : i32
        %get3A_668 = arith.constant 1 : i32
        %get3A_669 = arith.index_cast %get3A_668 : i32 to index
        %get3A_670 = arith.index_cast %add3A_667 : i32 to index
        %get3A_671 = arith.constant 0 : index
        %get3A_672 = tpu.vector_load %arg7[%get3A_669, %get3A_670, %get3A_671] {strides = array<i32>} : memref<2x128x64xf32, #tpu.memory_space<vmem>>, vector<16xf32>,
        %get3A_673 = arith.constant 1 : i32
        %get3A_674 = arith.index_cast %get3A_673 : i32 to index
        %get3A_675 = arith.index_cast %add3A_667 : i32 to index
        %get3A_676 = arith.constant 16 : index
        %get3A_677 = tpu.vector_load %arg7[%get3A_674, %get3A_675, %get3A_676] {strides = array<i32>} : memref<2x128x64xf32, #tpu.memory_space<vmem>>, vector<16xf32>,
        %get3A_678 = arith.constant 1 : i32
        %get3A_679 = arith.index_cast %get3A_678 : i32 to index
        %get3A_680 = arith.index_cast %add3A_667 : i32 to index
        %get3A_681 = arith.constant 32 : index
        %get3A_682 = tpu.vector_load %arg7[%get3A_679, %get3A_680, %get3A_681] {strides = array<i32>} : memref<2x128x64xf32, #tpu.memory_space<vmem>>, vector<16xf32>,
        %get3A_683 = arith.constant 1 : i32
        %get3A_684 = arith.index_cast %get3A_683 : i32 to index
        %get3A_685 = arith.index_cast %add3A_667 : i32 to index
        %get3A_686 = arith.constant 48 : index
        %get3A_687 = tpu.vector_load %arg7[%get3A_684, %get3A_685, %get3A_686] {strides = array<i32>} : memref<2x128x64xf32, #tpu.memory_space<vmem>>, vector<16xf32>,
        %add3A_688 = arith.addf %scan3A_661, %get3A_672 : vector<16xf32>
        %add3A_689 = arith.addf %scan3A_662, %get3A_677 : vector<16xf32>
        %add3A_690 = arith.addf %scan3A_663, %get3A_682 : vector<16xf32>
        %add3A_691 = arith.addf %scan3A_664, %get3A_687 : vector<16xf32>
        %mul3A_692 = arith.mulf %get3A_672, %get3A_672 : vector<16xf32>
        %add3A_693 = arith.addf %scan3A_665, %mul3A_692 : vector<16xf32>
        %mul3A_694 = arith.mulf %get3A_677, %get3A_677 : vector<16xf32>
        %add3A_695 = arith.addf %add3A_693, %mul3A_694 : vector<16xf32>
        %mul3A_696 = arith.mulf %get3A_682, %get3A_682 : vector<16xf32>
        %add3A_697 = arith.addf %add3A_695, %mul3A_696 : vector<16xf32>
        %mul3A_698 = arith.mulf %get3A_687, %get3A_687 : vector<16xf32>
        %add3A_699 = arith.addf %add3A_697, %mul3A_698 : vector<16xf32>
        scf.yield %add3A_688, %add3A_689, %add3A_690, %add3A_691, %add3A_699 : vector<16xf32>, vector<16xf32>, vector<16xf32>, vector<16xf32>, vector<16xf32>
      }
      %scan3A_530 = arith.constant 30 : i32
      %add3A_531 = arith.addf %scan3A_529#0, %scan3A_529#1 : vector<16xf32>
      %add3A_532 = arith.addf %add3A_531, %scan3A_529#2 : vector<16xf32>
      %add3A_533 = arith.addf %add3A_532, %scan3A_529#3 : vector<16xf32>
      %reduce_sum3A_534 = arith.constant true
      %reduce_sum3A_535 = vector.broadcast %reduce_sum3A_534 : i1 to vector<16xi1>
      %reduce_sum3A_536 = tpu.scan <sum>, %add3A_533 masked %reduce_sum3A_535 : vector<16xf32>, vector<16xi1> -> vector<16xf32>
      %reduce_sum3A_537 = vector.extract %reduce_sum3A_536[15] : f32 from vector<16xf32>
      %mul3A_538 = arith.mulf %scan3A_529#0, %scan3A_529#0 : vector<16xf32>
      %mul3A_539 = arith.mulf %scan3A_529#1, %scan3A_529#1 : vector<16xf32>
      %add3A_540 = arith.addf %mul3A_538, %mul3A_539 : vector<16xf32>
      %mul3A_541 = arith.mulf %scan3A_529#2, %scan3A_529#2 : vector<16xf32>
      %add3A_542 = arith.addf %add3A_540, %mul3A_541 : vector<16xf32>
      %mul3A_543 = arith.mulf %scan3A_529#3, %scan3A_529#3 : vector<16xf32>
      %add3A_544 = arith.addf %add3A_542, %mul3A_543 : vector<16xf32>
      %reduce_sum3A_545 = arith.constant true
      %reduce_sum3A_546 = vector.broadcast %reduce_sum3A_545 : i1 to vector<16xi1>
      %reduce_sum3A_547 = tpu.scan <sum>, %add3A_544 masked %reduce_sum3A_546 : vector<16xf32>, vector<16xi1> -> vector<16xf32>
      %reduce_sum3A_548 = vector.extract %reduce_sum3A_547[15] : f32 from vector<16xf32>
      %reduce_sum3A_549 = arith.constant true
      %reduce_sum3A_550 = vector.broadcast %reduce_sum3A_549 : i1 to vector<16xi1>
      %reduce_sum3A_551 = tpu.scan <sum>, %scan3A_529#4 masked %reduce_sum3A_550 : vector<16xf32>, vector<16xi1> -> vector<16xf32>
      %reduce_sum3A_552 = vector.extract %reduce_sum3A_551[15] : f32 from vector<16xf32>
      %sub3A_553 = arith.subf %reduce_sum3A_548, %reduce_sum3A_552 : f32
      %mul3A_554 = arith.constant 5.000000e-01 : f32
      %mul3A_555 = arith.mulf %mul3A_554, %sub3A_553 : f32
      %add3A_556 = arith.addf %reduce_sum3A_537, %mul3A_555 : f32
      %mul3A_557 = arith.constant 4 : i32
      %mul3A_558 = arith.muli %add3A_406, %mul3A_557 : i32
      %add3A_559 = arith.constant 2 : i32
      %add3A_560 = arith.addi %mul3A_558, %add3A_559 : i32
      %jit3A_561 = arith.constant 16 : i32
      %eq3A_562 = arith.constant 0 : i32
      %eq3A_563 = arith.cmpi eq, %jit3A_561, %eq3A_562 : i32
      %jit3A_564 = arith.constant 1 : i32
      %select_n3A_565 = arith.select %eq3A_563, %jit3A_564, %jit3A_561 : i32
      %rem3A_566 = arith.remsi %add3A_560, %select_n3A_565 : i32
      %ne3A_567 = arith.constant 0 : i32
      %ne3A_568 = arith.cmpi ne, %rem3A_566, %ne3A_567 : i32
      %lt3A_569 = arith.constant 0 : i32
      %lt3A_570 = arith.cmpi slt, %rem3A_566, %lt3A_569 : i32
      %lt3A_571 = arith.constant 0 : i32
      %lt3A_572 = arith.cmpi slt, %select_n3A_565, %lt3A_571 : i32
      %ne3A_573 = arith.xori %lt3A_570, %lt3A_572 : i1
      %and3A_574 = arith.andi %ne3A_573, %ne3A_568 : i1
      %add3A_575 = arith.addi %rem3A_566, %select_n3A_565 : i32
      %select_n3A_576 = arith.select %and3A_574, %add3A_575, %rem3A_566 : i32
      %eq3A_577 = vector.broadcast %select_n3A_576 : i32 to vector<16xi32>
      %eq3A_578 = arith.cmpi eq, %iota3A, %eq3A_577 : vector<16xi32>
      %broadcast_in_dim3A_579 = vector.broadcast %add3A_556 : f32 to vector<16xf32>
      %select_n3A_580 = arith.select %eq3A_578, %broadcast_in_dim3A_579, %select_n3A_522 : vector<16xi1>, vector<16xf32>
      %broadcast_in_dim3A_581 = arith.constant 0.000000e+00 : f32
      %broadcast_in_dim3A_582 = vector.broadcast %broadcast_in_dim3A_581 : f32 to vector<16xf32>
      %scan3A_583 = arith.constant 0 : i32
      %scan3A_584 = arith.constant 30 : i32
      %scan3A_585 = arith.addi %scan3A_583, %scan3A_584 : i32
      %scan3A_586 = arith.constant 1 : i32
      %scan3A_587:5 = scf.for %scan3A_660 = %scan3A_583 to %scan3A_585 step %scan3A_586 iter_args(%scan3A_661 = %broadcast_in_dim3A_582, %scan3A_662 = %broadcast_in_dim3A_582, %scan3A_663 = %broadcast_in_dim3A_582, %scan3A_664 = %broadcast_in_dim3A_582, %scan3A_665 = %broadcast_in_dim3A_582) -> (vector<16xf32>, vector<16xf32>, vector<16xf32>, vector<16xf32>, vector<16xf32>)  : i32 {
        %add3A_666 = arith.constant 96 : i32
        %add3A_667 = arith.addi %add3A_666, %scan3A_660 : i32
        %get3A_668 = arith.constant 1 : i32
        %get3A_669 = arith.index_cast %get3A_668 : i32 to index
        %get3A_670 = arith.index_cast %add3A_667 : i32 to index
        %get3A_671 = arith.constant 0 : index
        %get3A_672 = tpu.vector_load %arg7[%get3A_669, %get3A_670, %get3A_671] {strides = array<i32>} : memref<2x128x64xf32, #tpu.memory_space<vmem>>, vector<16xf32>,
        %get3A_673 = arith.constant 1 : i32
        %get3A_674 = arith.index_cast %get3A_673 : i32 to index
        %get3A_675 = arith.index_cast %add3A_667 : i32 to index
        %get3A_676 = arith.constant 16 : index
        %get3A_677 = tpu.vector_load %arg7[%get3A_674, %get3A_675, %get3A_676] {strides = array<i32>} : memref<2x128x64xf32, #tpu.memory_space<vmem>>, vector<16xf32>,
        %get3A_678 = arith.constant 1 : i32
        %get3A_679 = arith.index_cast %get3A_678 : i32 to index
        %get3A_680 = arith.index_cast %add3A_667 : i32 to index
        %get3A_681 = arith.constant 32 : index
        %get3A_682 = tpu.vector_load %arg7[%get3A_679, %get3A_680, %get3A_681] {strides = array<i32>} : memref<2x128x64xf32, #tpu.memory_space<vmem>>, vector<16xf32>,
        %get3A_683 = arith.constant 1 : i32
        %get3A_684 = arith.index_cast %get3A_683 : i32 to index
        %get3A_685 = arith.index_cast %add3A_667 : i32 to index
        %get3A_686 = arith.constant 48 : index
        %get3A_687 = tpu.vector_load %arg7[%get3A_684, %get3A_685, %get3A_686] {strides = array<i32>} : memref<2x128x64xf32, #tpu.memory_space<vmem>>, vector<16xf32>,
        %add3A_688 = arith.addf %scan3A_661, %get3A_672 : vector<16xf32>
        %add3A_689 = arith.addf %scan3A_662, %get3A_677 : vector<16xf32>
        %add3A_690 = arith.addf %scan3A_663, %get3A_682 : vector<16xf32>
        %add3A_691 = arith.addf %scan3A_664, %get3A_687 : vector<16xf32>
        %mul3A_692 = arith.mulf %get3A_672, %get3A_672 : vector<16xf32>
        %add3A_693 = arith.addf %scan3A_665, %mul3A_692 : vector<16xf32>
        %mul3A_694 = arith.mulf %get3A_677, %get3A_677 : vector<16xf32>
        %add3A_695 = arith.addf %add3A_693, %mul3A_694 : vector<16xf32>
        %mul3A_696 = arith.mulf %get3A_682, %get3A_682 : vector<16xf32>
        %add3A_697 = arith.addf %add3A_695, %mul3A_696 : vector<16xf32>
        %mul3A_698 = arith.mulf %get3A_687, %get3A_687 : vector<16xf32>
        %add3A_699 = arith.addf %add3A_697, %mul3A_698 : vector<16xf32>
        scf.yield %add3A_688, %add3A_689, %add3A_690, %add3A_691, %add3A_699 : vector<16xf32>, vector<16xf32>, vector<16xf32>, vector<16xf32>, vector<16xf32>
      }
      %scan3A_588 = arith.constant 30 : i32
      %add3A_589 = arith.addf %scan3A_587#0, %scan3A_587#1 : vector<16xf32>
      %add3A_590 = arith.addf %add3A_589, %scan3A_587#2 : vector<16xf32>
      %add3A_591 = arith.addf %add3A_590, %scan3A_587#3 : vector<16xf32>
      %reduce_sum3A_592 = arith.constant true
      %reduce_sum3A_593 = vector.broadcast %reduce_sum3A_592 : i1 to vector<16xi1>
      %reduce_sum3A_594 = tpu.scan <sum>, %add3A_591 masked %reduce_sum3A_593 : vector<16xf32>, vector<16xi1> -> vector<16xf32>
      %reduce_sum3A_595 = vector.extract %reduce_sum3A_594[15] : f32 from vector<16xf32>
      %mul3A_596 = arith.mulf %scan3A_587#0, %scan3A_587#0 : vector<16xf32>
      %mul3A_597 = arith.mulf %scan3A_587#1, %scan3A_587#1 : vector<16xf32>
      %add3A_598 = arith.addf %mul3A_596, %mul3A_597 : vector<16xf32>
      %mul3A_599 = arith.mulf %scan3A_587#2, %scan3A_587#2 : vector<16xf32>
      %add3A_600 = arith.addf %add3A_598, %mul3A_599 : vector<16xf32>
      %mul3A_601 = arith.mulf %scan3A_587#3, %scan3A_587#3 : vector<16xf32>
      %add3A_602 = arith.addf %add3A_600, %mul3A_601 : vector<16xf32>
      %reduce_sum3A_603 = arith.constant true
      %reduce_sum3A_604 = vector.broadcast %reduce_sum3A_603 : i1 to vector<16xi1>
      %reduce_sum3A_605 = tpu.scan <sum>, %add3A_602 masked %reduce_sum3A_604 : vector<16xf32>, vector<16xi1> -> vector<16xf32>
      %reduce_sum3A_606 = vector.extract %reduce_sum3A_605[15] : f32 from vector<16xf32>
      %reduce_sum3A_607 = arith.constant true
      %reduce_sum3A_608 = vector.broadcast %reduce_sum3A_607 : i1 to vector<16xi1>
      %reduce_sum3A_609 = tpu.scan <sum>, %scan3A_587#4 masked %reduce_sum3A_608 : vector<16xf32>, vector<16xi1> -> vector<16xf32>
      %reduce_sum3A_610 = vector.extract %reduce_sum3A_609[15] : f32 from vector<16xf32>
      %sub3A_611 = arith.subf %reduce_sum3A_606, %reduce_sum3A_610 : f32
      %mul3A_612 = arith.constant 5.000000e-01 : f32
      %mul3A_613 = arith.mulf %mul3A_612, %sub3A_611 : f32
      %add3A_614 = arith.addf %reduce_sum3A_595, %mul3A_613 : f32
      %mul3A_615 = arith.constant 4 : i32
      %mul3A_616 = arith.muli %add3A_406, %mul3A_615 : i32
      %add3A_617 = arith.constant 3 : i32
      %add3A_618 = arith.addi %mul3A_616, %add3A_617 : i32
      %jit3A_619 = arith.constant 16 : i32
      %eq3A_620 = arith.constant 0 : i32
      %eq3A_621 = arith.cmpi eq, %jit3A_619, %eq3A_620 : i32
      %jit3A_622 = arith.constant 1 : i32
      %select_n3A_623 = arith.select %eq3A_621, %jit3A_622, %jit3A_619 : i32
      %rem3A_624 = arith.remsi %add3A_618, %select_n3A_623 : i32
      %ne3A_625 = arith.constant 0 : i32
      %ne3A_626 = arith.cmpi ne, %rem3A_624, %ne3A_625 : i32
      %lt3A_627 = arith.constant 0 : i32
      %lt3A_628 = arith.cmpi slt, %rem3A_624, %lt3A_627 : i32
      %lt3A_629 = arith.constant 0 : i32
      %lt3A_630 = arith.cmpi slt, %select_n3A_623, %lt3A_629 : i32
      %ne3A_631 = arith.xori %lt3A_628, %lt3A_630 : i1
      %and3A_632 = arith.andi %ne3A_631, %ne3A_626 : i1
      %add3A_633 = arith.addi %rem3A_624, %select_n3A_623 : i32
      %select_n3A_634 = arith.select %and3A_632, %add3A_633, %rem3A_624 : i32
      %eq3A_635 = vector.broadcast %select_n3A_634 : i32 to vector<16xi32>
      %eq3A_636 = arith.cmpi eq, %iota3A, %eq3A_635 : vector<16xi32>
      %broadcast_in_dim3A_637 = vector.broadcast %add3A_614 : f32 to vector<16xf32>
      %select_n3A_638 = arith.select %eq3A_636, %broadcast_in_dim3A_637, %select_n3A_580 : vector<16xi1>, vector<16xf32>
      %jit3A_639 = arith.constant 2 : i32
      %eq3A_640 = arith.constant 0 : i32
      %eq3A_641 = arith.cmpi eq, %jit3A_639, %eq3A_640 : i32
      %jit3A_642 = arith.constant 1 : i32
      %select_n3A_643 = arith.select %eq3A_641, %jit3A_642, %jit3A_639 : i32
      %rem3A_644 = arith.remsi %scan3A_139, %select_n3A_643 : i32
      %ne3A_645 = arith.constant 0 : i32
      %ne3A_646 = arith.cmpi ne, %rem3A_644, %ne3A_645 : i32
      %lt3A_647 = arith.constant 0 : i32
      %lt3A_648 = arith.cmpi slt, %rem3A_644, %lt3A_647 : i32
      %lt3A_649 = arith.constant 0 : i32
      %lt3A_650 = arith.cmpi slt, %select_n3A_643, %lt3A_649 : i32
      %ne3A_651 = arith.xori %lt3A_648, %lt3A_650 : i1
      %and3A_652 = arith.andi %ne3A_651, %ne3A_646 : i1
      %add3A_653 = arith.addi %rem3A_644, %select_n3A_643 : i32
      %select_n3A_654 = arith.select %and3A_652, %add3A_653, %rem3A_644 : i32
      %eq3A_655 = arith.constant 1 : i32
      %eq3A_656 = arith.cmpi eq, %select_n3A_654, %eq3A_655 : i32
      %convert_element_type3A_657 = arith.extui %eq3A_656 : i1 to i32
      %cond3A_658 = arith.constant 0 : i32
      %cond3A_659 = arith.cmpi ne, %convert_element_type3A_657, %cond3A_658 : i32
      scf.if %cond3A_659 {
        %jit3A_660 = arith.constant 2 : i32
        %div3A_661 = arith.divsi %scan3A_139, %jit3A_660 : i32
        %sign3A = arith.constant 0 : i32
        %sign3A_662 = arith.cmpi sgt, %scan3A_139, %sign3A : i32
        %sign3A_663 = arith.extui %sign3A_662 : i1 to i32
        %sign3A_664 = arith.constant 0 : i32
        %sign3A_665 = arith.cmpi slt, %scan3A_139, %sign3A_664 : i32
        %sign3A_666 = arith.extui %sign3A_665 : i1 to i32
        %sign3A_667 = arith.subi %sign3A_663, %sign3A_666 : i32
        %sign3A_668 = arith.constant 0 : i32
        %sign3A_669 = arith.cmpi sgt, %jit3A_660, %sign3A_668 : i32
        %sign3A_670 = arith.extui %sign3A_669 : i1 to i32
        %sign3A_671 = arith.constant 0 : i32
        %sign3A_672 = arith.cmpi slt, %jit3A_660, %sign3A_671 : i32
        %sign3A_673 = arith.extui %sign3A_672 : i1 to i32
        %sign3A_674 = arith.subi %sign3A_670, %sign3A_673 : i32
        %ne3A_675 = arith.cmpi ne, %sign3A_667, %sign3A_674 : i32
        %rem3A_676 = arith.remsi %scan3A_139, %jit3A_660 : i32
        %ne3A_677 = arith.constant 0 : i32
        %ne3A_678 = arith.cmpi ne, %rem3A_676, %ne3A_677 : i32
        %and3A_679 = arith.andi %ne3A_675, %ne3A_678 : i1
        %sub3A_680 = arith.constant 1 : i32
        %sub3A_681 = arith.subi %div3A_661, %sub3A_680 : i32
        %select_n3A_682 = arith.select %and3A_679, %sub3A_681, %div3A_661 : i32
        %mul3A_683 = arith.constant 16 : i32
        %mul3A_684 = arith.muli %select_n3A_682, %mul3A_683 : i32
        %swap3A_685 = arith.index_cast %mul3A_684 : i32 to index
        %swap3A_686 = tpu.vector_load %arg8[%swap3A_685] {strides = array<i32>} : memref<128xf32, #tpu.memory_space<vmem>>, vector<16xf32>,
        tpu.vector_store %arg8[%swap3A_685], %select_n3A_638 {strides = array<i32>} : memref<128xf32, #tpu.memory_space<vmem>>, vector<16xf32>,
      } else {
      }
      scf.yield %select_n3A_638 : vector<16xf32>
    }
    %scan3A_19 = arith.constant 16 : i32
    %get3A = arith.constant 0 : index
    %get3A_20 = tpu.vector_load %arg9[%get3A] {strides = array<i32>} : memref<16xf32, #tpu.memory_space<vmem>>, vector<16xf32>,
    %get3A_21 = arith.constant 0 : index
    %get3A_22 = tpu.vector_load %arg8[%get3A_21] {strides = array<i32>} : memref<128xf32, #tpu.memory_space<vmem>>, vector<16xf32>,
    %add3A_23 = arith.addf %get3A_22, %get3A_20 : vector<16xf32>
    %neg3A = arith.constant 0.000000e+00 : f32
    %neg3A_24 = vector.broadcast %neg3A : f32 to vector<16xf32>
    %neg3A_25 = arith.subf %neg3A_24, %add3A_23 : vector<16xf32>
    %exp3A = math.exp %neg3A_25 : vector<16xf32>
    %add3A_26 = arith.constant 1.000000e+00 : f32
    %add3A_27 = vector.broadcast %add3A_26 : f32 to vector<16xf32>
    %add3A_28 = arith.addf %add3A_27, %exp3A : vector<16xf32>
    %div3A = arith.constant 1.000000e+00 : f32
    %div3A_29 = vector.broadcast %div3A : f32 to vector<16xf32>
    %div3A_30 = arith.divf %div3A_29, %add3A_28 : vector<16xf32>
    %swap3A = arith.constant 0 : index
    %swap3A_31 = tpu.vector_load %arg8[%swap3A] {strides = array<i32>} : memref<128xf32, #tpu.memory_space<vmem>>, vector<16xf32>,
    tpu.vector_store %arg8[%swap3A], %div3A_30 {strides = array<i32>} : memref<128xf32, #tpu.memory_space<vmem>>, vector<16xf32>,
    %get3A_32 = arith.constant 16 : index
    %get3A_33 = tpu.vector_load %arg8[%get3A_32] {strides = array<i32>} : memref<128xf32, #tpu.memory_space<vmem>>, vector<16xf32>,
    %add3A_34 = arith.addf %get3A_33, %get3A_20 : vector<16xf32>
    %neg3A_35 = arith.constant 0.000000e+00 : f32
    %neg3A_36 = vector.broadcast %neg3A_35 : f32 to vector<16xf32>
    %neg3A_37 = arith.subf %neg3A_36, %add3A_34 : vector<16xf32>
    %exp3A_38 = math.exp %neg3A_37 : vector<16xf32>
    %add3A_39 = arith.constant 1.000000e+00 : f32
    %add3A_40 = vector.broadcast %add3A_39 : f32 to vector<16xf32>
    %add3A_41 = arith.addf %add3A_40, %exp3A_38 : vector<16xf32>
    %div3A_42 = arith.constant 1.000000e+00 : f32
    %div3A_43 = vector.broadcast %div3A_42 : f32 to vector<16xf32>
    %div3A_44 = arith.divf %div3A_43, %add3A_41 : vector<16xf32>
    %swap3A_45 = arith.constant 16 : index
    %swap3A_46 = tpu.vector_load %arg8[%swap3A_45] {strides = array<i32>} : memref<128xf32, #tpu.memory_space<vmem>>, vector<16xf32>,
    tpu.vector_store %arg8[%swap3A_45], %div3A_44 {strides = array<i32>} : memref<128xf32, #tpu.memory_space<vmem>>, vector<16xf32>,
    %get3A_47 = arith.constant 32 : index
    %get3A_48 = tpu.vector_load %arg8[%get3A_47] {strides = array<i32>} : memref<128xf32, #tpu.memory_space<vmem>>, vector<16xf32>,
    %add3A_49 = arith.addf %get3A_48, %get3A_20 : vector<16xf32>
    %neg3A_50 = arith.constant 0.000000e+00 : f32
    %neg3A_51 = vector.broadcast %neg3A_50 : f32 to vector<16xf32>
    %neg3A_52 = arith.subf %neg3A_51, %add3A_49 : vector<16xf32>
    %exp3A_53 = math.exp %neg3A_52 : vector<16xf32>
    %add3A_54 = arith.constant 1.000000e+00 : f32
    %add3A_55 = vector.broadcast %add3A_54 : f32 to vector<16xf32>
    %add3A_56 = arith.addf %add3A_55, %exp3A_53 : vector<16xf32>
    %div3A_57 = arith.constant 1.000000e+00 : f32
    %div3A_58 = vector.broadcast %div3A_57 : f32 to vector<16xf32>
    %div3A_59 = arith.divf %div3A_58, %add3A_56 : vector<16xf32>
    %swap3A_60 = arith.constant 32 : index
    %swap3A_61 = tpu.vector_load %arg8[%swap3A_60] {strides = array<i32>} : memref<128xf32, #tpu.memory_space<vmem>>, vector<16xf32>,
    tpu.vector_store %arg8[%swap3A_60], %div3A_59 {strides = array<i32>} : memref<128xf32, #tpu.memory_space<vmem>>, vector<16xf32>,
    %get3A_62 = arith.constant 48 : index
    %get3A_63 = tpu.vector_load %arg8[%get3A_62] {strides = array<i32>} : memref<128xf32, #tpu.memory_space<vmem>>, vector<16xf32>,
    %add3A_64 = arith.addf %get3A_63, %get3A_20 : vector<16xf32>
    %neg3A_65 = arith.constant 0.000000e+00 : f32
    %neg3A_66 = vector.broadcast %neg3A_65 : f32 to vector<16xf32>
    %neg3A_67 = arith.subf %neg3A_66, %add3A_64 : vector<16xf32>
    %exp3A_68 = math.exp %neg3A_67 : vector<16xf32>
    %add3A_69 = arith.constant 1.000000e+00 : f32
    %add3A_70 = vector.broadcast %add3A_69 : f32 to vector<16xf32>
    %add3A_71 = arith.addf %add3A_70, %exp3A_68 : vector<16xf32>
    %div3A_72 = arith.constant 1.000000e+00 : f32
    %div3A_73 = vector.broadcast %div3A_72 : f32 to vector<16xf32>
    %div3A_74 = arith.divf %div3A_73, %add3A_71 : vector<16xf32>
    %swap3A_75 = arith.constant 48 : index
    %swap3A_76 = tpu.vector_load %arg8[%swap3A_75] {strides = array<i32>} : memref<128xf32, #tpu.memory_space<vmem>>, vector<16xf32>,
    tpu.vector_store %arg8[%swap3A_75], %div3A_74 {strides = array<i32>} : memref<128xf32, #tpu.memory_space<vmem>>, vector<16xf32>,
    %get3A_77 = arith.constant 64 : index
    %get3A_78 = tpu.vector_load %arg8[%get3A_77] {strides = array<i32>} : memref<128xf32, #tpu.memory_space<vmem>>, vector<16xf32>,
    %add3A_79 = arith.addf %get3A_78, %get3A_20 : vector<16xf32>
    %neg3A_80 = arith.constant 0.000000e+00 : f32
    %neg3A_81 = vector.broadcast %neg3A_80 : f32 to vector<16xf32>
    %neg3A_82 = arith.subf %neg3A_81, %add3A_79 : vector<16xf32>
    %exp3A_83 = math.exp %neg3A_82 : vector<16xf32>
    %add3A_84 = arith.constant 1.000000e+00 : f32
    %add3A_85 = vector.broadcast %add3A_84 : f32 to vector<16xf32>
    %add3A_86 = arith.addf %add3A_85, %exp3A_83 : vector<16xf32>
    %div3A_87 = arith.constant 1.000000e+00 : f32
    %div3A_88 = vector.broadcast %div3A_87 : f32 to vector<16xf32>
    %div3A_89 = arith.divf %div3A_88, %add3A_86 : vector<16xf32>
    %swap3A_90 = arith.constant 64 : index
    %swap3A_91 = tpu.vector_load %arg8[%swap3A_90] {strides = array<i32>} : memref<128xf32, #tpu.memory_space<vmem>>, vector<16xf32>,
    tpu.vector_store %arg8[%swap3A_90], %div3A_89 {strides = array<i32>} : memref<128xf32, #tpu.memory_space<vmem>>, vector<16xf32>,
    %get3A_92 = arith.constant 80 : index
    %get3A_93 = tpu.vector_load %arg8[%get3A_92] {strides = array<i32>} : memref<128xf32, #tpu.memory_space<vmem>>, vector<16xf32>,
    %add3A_94 = arith.addf %get3A_93, %get3A_20 : vector<16xf32>
    %neg3A_95 = arith.constant 0.000000e+00 : f32
    %neg3A_96 = vector.broadcast %neg3A_95 : f32 to vector<16xf32>
    %neg3A_97 = arith.subf %neg3A_96, %add3A_94 : vector<16xf32>
    %exp3A_98 = math.exp %neg3A_97 : vector<16xf32>
    %add3A_99 = arith.constant 1.000000e+00 : f32
    %add3A_100 = vector.broadcast %add3A_99 : f32 to vector<16xf32>
    %add3A_101 = arith.addf %add3A_100, %exp3A_98 : vector<16xf32>
    %div3A_102 = arith.constant 1.000000e+00 : f32
    %div3A_103 = vector.broadcast %div3A_102 : f32 to vector<16xf32>
    %div3A_104 = arith.divf %div3A_103, %add3A_101 : vector<16xf32>
    %swap3A_105 = arith.constant 80 : index
    %swap3A_106 = tpu.vector_load %arg8[%swap3A_105] {strides = array<i32>} : memref<128xf32, #tpu.memory_space<vmem>>, vector<16xf32>,
    tpu.vector_store %arg8[%swap3A_105], %div3A_104 {strides = array<i32>} : memref<128xf32, #tpu.memory_space<vmem>>, vector<16xf32>,
    %get3A_107 = arith.constant 96 : index
    %get3A_108 = tpu.vector_load %arg8[%get3A_107] {strides = array<i32>} : memref<128xf32, #tpu.memory_space<vmem>>, vector<16xf32>,
    %add3A_109 = arith.addf %get3A_108, %get3A_20 : vector<16xf32>
    %neg3A_110 = arith.constant 0.000000e+00 : f32
    %neg3A_111 = vector.broadcast %neg3A_110 : f32 to vector<16xf32>
    %neg3A_112 = arith.subf %neg3A_111, %add3A_109 : vector<16xf32>
    %exp3A_113 = math.exp %neg3A_112 : vector<16xf32>
    %add3A_114 = arith.constant 1.000000e+00 : f32
    %add3A_115 = vector.broadcast %add3A_114 : f32 to vector<16xf32>
    %add3A_116 = arith.addf %add3A_115, %exp3A_113 : vector<16xf32>
    %div3A_117 = arith.constant 1.000000e+00 : f32
    %div3A_118 = vector.broadcast %div3A_117 : f32 to vector<16xf32>
    %div3A_119 = arith.divf %div3A_118, %add3A_116 : vector<16xf32>
    %swap3A_120 = arith.constant 96 : index
    %swap3A_121 = tpu.vector_load %arg8[%swap3A_120] {strides = array<i32>} : memref<128xf32, #tpu.memory_space<vmem>>, vector<16xf32>,
    tpu.vector_store %arg8[%swap3A_120], %div3A_119 {strides = array<i32>} : memref<128xf32, #tpu.memory_space<vmem>>, vector<16xf32>,
    %get3A_122 = arith.constant 112 : index
    %get3A_123 = tpu.vector_load %arg8[%get3A_122] {strides = array<i32>} : memref<128xf32, #tpu.memory_space<vmem>>, vector<16xf32>,
    %add3A_124 = arith.addf %get3A_123, %get3A_20 : vector<16xf32>
    %neg3A_125 = arith.constant 0.000000e+00 : f32
    %neg3A_126 = vector.broadcast %neg3A_125 : f32 to vector<16xf32>
    %neg3A_127 = arith.subf %neg3A_126, %add3A_124 : vector<16xf32>
    %exp3A_128 = math.exp %neg3A_127 : vector<16xf32>
    %add3A_129 = arith.constant 1.000000e+00 : f32
    %add3A_130 = vector.broadcast %add3A_129 : f32 to vector<16xf32>
    %add3A_131 = arith.addf %add3A_130, %exp3A_128 : vector<16xf32>
    %div3A_132 = arith.constant 1.000000e+00 : f32
    %div3A_133 = vector.broadcast %div3A_132 : f32 to vector<16xf32>
    %div3A_134 = arith.divf %div3A_133, %add3A_131 : vector<16xf32>
    %swap3A_135 = arith.constant 112 : index
    %swap3A_136 = tpu.vector_load %arg8[%swap3A_135] {strides = array<i32>} : memref<128xf32, #tpu.memory_space<vmem>>, vector<16xf32>,
    tpu.vector_store %arg8[%swap3A_135], %div3A_134 {strides = array<i32>} : memref<128xf32, #tpu.memory_space<vmem>>, vector<16xf32>,
    %mul3A_137 = arith.constant 128 : i32
    %mul3A_138 = arith.muli %add3A, %mul3A_137 : i32
    "tpu.region"() ({
      %run_scoped3A = tpu.sem_alloc : memref<!tpu.dma_semaphore, #tpu.memory_space<semaphore_mem>>
      %dma_start3A_139 = tpu.memref_slice %arg5[%mul3A_138] : memref<4096xf32, #tpu.memory_space<hbm>> -> memref<128xf32, #tpu.memory_space<hbm>>
      %dma_start3A_140 = tpu.memref_slice %arg5[%mul3A_138] : memref<4096xf32, #tpu.memory_space<hbm>> -> memref<128xf32, #tpu.memory_space<hbm>>
      tpu.enqueue_dma source(%arg8 : memref<128xf32, #tpu.memory_space<vmem>>) target(%dma_start3A_140 : memref<128xf32, #tpu.memory_space<hbm>>) target_semaphore(%run_scoped3A : memref<!tpu.dma_semaphore, #tpu.memory_space<semaphore_mem>>)
      %dma_wait3A = tpu.memref_slice %arg5[%mul3A_138] : memref<4096xf32, #tpu.memory_space<hbm>> -> memref<128xf32, #tpu.memory_space<hbm>>
      %dma_wait3A_141 = tpu.memref_slice %arg5[%mul3A_138] : memref<4096xf32, #tpu.memory_space<hbm>> -> memref<128xf32, #tpu.memory_space<hbm>>
      tpu.wait_dma2 semaphore(%run_scoped3A : memref<!tpu.dma_semaphore, #tpu.memory_space<semaphore_mem>>) src(%arg8 : memref<128xf32, #tpu.memory_space<vmem>>) dst(%dma_wait3A_141 : memref<128xf32, #tpu.memory_space<hbm>>)
      tpu.yield
    }) : () -> ()
    return
  }
}

</mosaic_0001>

<sc_bundles>
// kernel: kernel.3.cloned.1.call-start
scs
__scs_entry_jumppad:
0x0: {  	(pc) =	sbr.rel $0x88, $3  }
0x1: {  	(tag) =	ssettag $0x0;
	lr =	simm.s32 $0x1  }
0x2: {  	[smem:$0x3F9E] =	sst lr;
	_ =	strace $0xD0000000  }
0x3: {  	_ = 	snop  }
0x4: {  	_ = 	snop  }
0x5: {  	_ = 	snop  }
0x6: {  	_ = 	snop  }
0x7: {  	_ = 	snop  }
__scs_overlays_trampoline_lowered:
0x8: {  	[smem:$0x3FAD] =	sst s0  }
0x9: {  	[smem:$0x3FAE] =	sst s1  }
0xa: {  	[smem:$0x3FAF] =	sst s2  }
0xb: {  	[smem:$0x3FB0] =	sst s3  }
0xc: {  	[smem:$0x3FB1] =	sst s4  }
0xd: {  	[smem:$0x3FB2] =	sst s5  }
0xe: {  	[smem:$0x3FB3] =	sst s6  }
0xf: {  	[smem:$0x3FB4] =	sst s7  }
0x10: {  	[smem:$0x3FB5] =	sst s8  }
0x11: {  	[smem:$0x3FB6] =	sst s9;
	s0 =	simm.s32 @!p0 $0x0  }
0x12: {  	s1 =	sld [smem:$0x3F9C];
	s0 =	simm.s32 @p0 $0x1  }
0x13: {  	[smem:$0x3FB7] =	sst s0;
	s0 =	simm.s32 @!p1 $0x0  }
0x14: {  	s2 =	sld [smem:$0x3F9B];
	s0 =	simm.s32 @p1 $0x1  }
0x15: {  	[smem:$0x3FB8] =	sst s0;
	s0 =	simm.s32 @!p2 $0x0  }
0x16: {  	s3 =	sld [smem:$0x3FDB];
	s0 =	simm.s32 @p2 $0x1  }
0x17: {  	s4 =	simm.s32 $0x1BF5;
	[smem:$0x3FBA] =	sst s0  }
0x18: {  	s0 =	sld [smem:$0x3F9D];
	_ =	swait.ge [sflag:s4], $0x0  }
0x19: {  	s7 =	sld [smem:$0x3F9E]  }
0x1a: {  	s8 =	sadd.s32 $0xFFFFE003, lr  }
0x1b: {  	s9 =	sadd.s32 $0xFFFFFEF7, lr;
	s5 =	simm.s32 $0xFFFFFFFF;
	p2 =	slt.u32 s8, $0xFFFFF086  }
0x1c: {  	p1 =	slt.u32 s9, $0xF7A;
	s5 =	simm.s32 @!p2 $0x0  }
0x1d: {  	s5 =	simm.s32 @p1 $0x1;
	p0 =	seq.s32 s7, s2  }
0x1e: {  	s7 =	smul.u32 @!p0 $0xF7A, s2;
	p2 =	seq.s32 @!p0 s5, $0x0  }
0x1f: {  	s9 =	smul.u32 $0xF7A, s1;
	s8 =	simm.s32 @!p0 $0x1BF5;
	p2 =	por !p2, p0  }
0x20: {  	[sflag:s8] =	ssyncset.s32 @!p0 $0xFFFFF086;
	s6 =	sadd.s32 @!p0 s3, s7;
	s7 =	simm.s32 @!p0 $0x108  }
0x21: {  	s3 =	sadd.s32 s3, s9;
	s6 =	sadd.s32 @!p0 $0x88, s6;
	s7 =	simm.s32 @p2 $0x1082  }
0x22: {  	[simem:s7], [sflag:s8] =	dma.local @!p0 [hbm:s6], $0xF7A  }
0x23: {  	s9 =	sor.u32 $0xD0000000, s2;
	s6 =	simm.s32 $0x108;
	_ =	swait.ge @!p0 [sflag:s8], $0x0  }
0x24: {  	s3 =	sadd.s32 $0x88, s3;
	s6 =	simm.s32 @!p1 $0x1082;
	[sflag:s4] =	ssyncset.s32 $0xFFFFF086  }
0x25: {  	[simem:s6], [sflag:s4] =	dma.local [hbm:s3], $0xF7A  }
0x26: {  	[smem:$0x3F9E] =	sst s1;
	(tag) =	ssettag s2;
	_ =	strace s9  }
0x27: {  	s1 =	sld [smem:$0x3FAE]  }
0x28: {  	s2 =	sld [smem:$0x3FAF]  }
0x29: {  	s4 =	sld [smem:$0x3FB1]  }
0x2a: {  	p0 =	seq.s32 s5, $0x0;
	s5 =	sld [smem:$0x3FB2]  }
0x2b: {  	s6 =	sld [smem:$0x3FB3]  }
0x2c: {  	s7 =	sld [smem:$0x3FB4]  }
0x2d: {  	s3 =	simm.s32 $0x108;
	s8 =	sld [smem:$0x3FB5]  }
0x2e: {  	s3 =	simm.s32 @!p0 $0x1082;
	s9 =	sld [smem:$0x3FB6]  }
0x2f: {  	lr =	sadd.s32 s0, s3;
	s0 =	sld [smem:$0x3FAD]  }
0x30: {  	s3 =	sld [smem:$0x3FB0]  }
0x31: {  	[smem:$0x3FB9] =	sst s10  }
0x32: {  	s10 =	sld [smem:$0x3FB7];
	_ =	sdelay $0x3  }
0x33: {  	p0 =	seq.s32 s10, $0x1;
	s10 =	sld [smem:$0x3FB9];
	_ =	sdelay $0x3  }
0x34: {  	[smem:$0x3FB9] =	sst s10  }
0x35: {  	s10 =	sld [smem:$0x3FB8];
	_ =	sdelay $0x3  }
0x36: {  	p1 =	seq.s32 s10, $0x1;
	s10 =	sld [smem:$0x3FB9];
	_ =	sdelay $0x3  }
0x37: {  	[smem:$0x3FB9] =	sst s10  }
0x38: {  	s10 =	sld [smem:$0x3FBA]  }
0x39: {  	_ = 	snop;
	(pc) =	sbr.ind lr, $3  }
0x3a: {  	_ = 	snop  }
0x3b: {  	_ = 	snop  }
0x3c: {  	p2 =	seq.s32 s10, $0x1;
	s10 =	sld [smem:$0x3FB9]  }
0x3d: {  	_ =	shalt  }
0x3e: {  	_ =	shalt  }
0x3f: {  	_ =	shalt  }
0x40: {  	_ =	shalt  }
0x41: {  	_ =	shalt  }
0x42: {  	_ =	shalt  }
0x43: {  	_ =	shalt  }
0x44: {  	_ =	shalt  }
0x45: {  	_ =	shalt  }
0x46: {  	_ =	shalt  }
0x47: {  	_ =	shalt  }
0x48: {  	_ =	shalt  }
0x49: {  	_ =	shalt  }
0x4a: {  	_ =	shalt  }
0x4b: {  	_ =	shalt  }
0x4c: {  	_ =	shalt  }
0x4d: {  	_ =	shalt  }
0x4e: {  	_ =	shalt  }
0x4f: {  	_ =	shalt  }
0x50: {  	_ =	shalt  }
0x51: {  	_ =	shalt  }
0x52: {  	_ =	shalt  }
0x53: {  	_ =	shalt  }
0x54: {  	_ =	shalt  }
0x55: {  	_ =	shalt  }
0x56: {  	_ =	shalt  }
0x57: {  	_ =	shalt  }
0x58: {  	_ =	shalt  }
0x59: {  	_ =	shalt  }
0x5a: {  	_ =	shalt  }
0x5b: {  	_ =	shalt  }
0x5c: {  	_ =	shalt  }
0x5d: {  	_ =	shalt  }
0x5e: {  	_ =	shalt  }
0x5f: {  	_ =	shalt  }
0x60: {  	_ =	shalt  }
0x61: {  	_ =	shalt  }
0x62: {  	_ =	shalt  }
0x63: {  	_ =	shalt  }
0x64: {  	_ =	shalt  }
0x65: {  	_ =	shalt  }
0x66: {  	_ =	shalt  }
0x67: {  	_ =	shalt  }
0x68: {  	_ =	shalt  }
0x69: {  	_ =	shalt  }
0x6a: {  	_ =	shalt  }
0x6b: {  	_ =	shalt  }
0x6c: {  	_ =	shalt  }
0x6d: {  	_ =	shalt  }
0x6e: {  	_ =	shalt  }
0x6f: {  	_ =	shalt  }
0x70: {  	_ =	shalt  }
0x71: {  	_ =	shalt  }
0x72: {  	_ =	shalt  }
0x73: {  	_ =	shalt  }
0x74: {  	_ =	shalt  }
0x75: {  	_ =	shalt  }
0x76: {  	_ =	shalt  }
0x77: {  	_ =	shalt  }
0x78: {  	_ =	shalt  }
0x79: {  	_ =	shalt  }
0x7a: {  	_ =	shalt  }
0x7b: {  	_ =	shalt  }
0x7c: {  	_ =	shalt  }
0x7d: {  	_ =	shalt  }
0x7e: {  	_ =	shalt  }
0x7f: {  	_ =	shalt  }
0x80: {  	_ =	shalt  }
0x81: {  	_ =	shalt  }
0x82: {  	_ =	shalt  }
0x83: {  	_ =	shalt  }
0x84: {  	_ =	shalt  }
0x85: {  	_ =	shalt  }
0x86: {  	_ =	shalt  }
0x87: {  	_ =	shalt  }
.Lfunc_end0:
.L_simem_size_0:
called_computation_lowered:
.L_overlay_start_0:
0x88: {  	s2 =	sld [smem:$0x3FD9]  }
0x89: {  	s3 =	sld [smem:$0x3FFE];
	_ =	sdelay $0x1  }
0x8a: {  	s1 =	srdreg.scid  }
0x8b: {  	s0 =	sand.u32 $0x1, s1  }
0x8c: {  	s17 =	sshll.u32 s0, $0xA;
	s2 =	sadd.s32 s3, s2  }
0x8d: {  	s2 =	sadd.s32 s2, s17  }
0x8e: {  	[smem:$0x3FC5] =	sst s2  }
0x8f: {  	_ = 	snop  }
0x90: {  	s2 =	sld [smem:$0x3FD0];
	(tm) =	ssettm $0x1  }
0x91: {  	s18 =	sld [smem:$0x3FFB];
	_ =	sdelay $0x3  }
0x92: {  	_ =	strace s18  }
0x93: {  	s3 =	sld [smem:$0x3FFC];
	_ =	sdelay $0x3  }
0x94: {  	_ =	strace s3  }
0x95: {  	s3 =	sld [smem:$0x3FFD];
	_ =	sdelay $0x3  }
0x96: {  	_ =	strace s3  }
0x97: {  	_ =	strace $0x8FFFFFFF  }
0x98: {  	s19 =	sld [smem:$0x3FDB];
	_ =	sdelay $0x1  }
0x99: {  	s4 =	simm.s32 $_scs_section_size  }
0x9a: {  	s5 =	simm.s32 $_size__tile_overlayer_lowered;
	s6 =	simm.s32 $_tile_overlayer_lowered  }
0x9b: {  	s22 =	simm.s32 $0x1BFF;
	s21 =	sshll.u32 s6, $0x1;
	s3 =	sadd.s32 s4, s19  }
0x9c: {  	s7 =	simm.s32 $0x0;
	s20 =	sshll.u32 s5, $0x1;
	s5 =	sadd.s32 s21, s3  }
0x9d: {  	[timem:s7], [sflag:s22] =	dma.local [hbm:s5], s20  }
0x9e: {  	_ =	swait.ge [sflag:s22], s20  }
0x9f: {  	s4 =	ssub.s32 $0x0, s20;
	[sflag:s22] =	ssyncset.done $0x0  }
0xa0: {  	[sflag:s22] =	ssyncadd.s32 s4;
	_ =	sdelay $0x1  }
0xa1: {  	s23 =	simm.s32 $0x1B8B  }
0xa2: {  	_ =	swait.ge [sflag:s23], $0x1  }
0xa3: {  	[sflag:s23] =	ssyncset.done $0x0  }
0xa4: {  	s25 =	simm.s32 $0x1B8E;
	s24 =	sld [smem:$0x3FFE];
	[sflag:s23] =	ssyncadd.s32 $0xFFFFFFFF  }
0xa5: {  	s26 =	simm.s32 $execute0_lowered;
	[smem:$0x3FD2] =	sst s25  }
0xa6: {  	s5 =	sshll.u32 s26, $0x1;
	_ =	strace $0x80000046;
	[dreg:$0x1] =	wrdreg $0xFFFFFFFF  }
0xa7: {  	s28 =	simm.s32 $_size_execute0_lowered;
	s3 =	sadd.s32 s3, s5;
	[dreg:$0x0] =	wrdreg $0x0  }
0xa8: {  	s5 =	sshll.u32 s28, $0x1;
	[dreg:$0x2] =	wrdreg s3  }
0xa9: {  	[dreg:$0x3] =	wrdreg s5  }
0xaa: {  	[dreg:$0x4] =	wrdreg $0xC0  }
0xab: {  	_ =	task [dreg:s7], $0x5FFFF  }
0xac: {  	[dreg:$0x1] =	wrdreg $0xFFFFFFFF  }
0xad: {  	[dreg:$0x0] =	wrdreg $0x60  }
0xae: {  	[dreg:$0x2] =	wrdreg s24  }
0xaf: {  	[dreg:$0x3] =	wrdreg s2  }
0xb0: {  	[dreg:$0x4] =	wrdreg $0x9  }
0xb1: {  	_ =	task.clear_ibuf [dreg:s7], $0x5FFFF;
	_ =	strace $0x90000046  }
0xb2: {  	s29 =	simm.s32 $0x9;
	_ =	strace $0x80000048  }
0xb3: {  	_ =	swait.ge [sflag:s29], $0x1  }
0xb4: {  	[sflag:s29] =	ssyncadd.s32 $0xFFFFFFFF  }
0xb5: {  	_ =	strace $0x90000048  }
0xb6: {  	_ =	sfence  }
0xb7: {  	s30 =	sld [smem:$0x0];
	_ =	sdelay $0x2  }
0xb8: {  	s31 =	sshll.u32 s1, $0xD;
	s1 =	sshrl.u32 s1, $0x2  }
0xb9: {  	s3 =	sand.u32 $0x4000, s31;
	s1 =	sadd.s32 s1, s30  }
0xba: {  	s0 =	sor.u32 s3, s0;
	s1 =	sshll.u32 s1, $0x11  }
0xbb: {  	s0 =	sor.u32 s1, s0  }
0xbc: {  	s0 =	sadd.s32 $0x8F2B, s0  }
0xbd: {  	[sflag:s0] =	ssyncadd.remote.s32 $0x1  }
0xbe: {  	_ =	sfence.sel $0xFFFF  }
0xbf: {  	[dreg:$0x0] =	wrdreg $0xFFFFFFFF;
	(pc) =	sbr.abs _section_cstart, $3  }
0xc0: {  	[dreg:$0x1] =	wrdreg $0xFFFFFFFF  }
0xc1: {  	_ =	task.clear_ibuf [dreg:s7], $0x2FFFF;
	_ =	strace $0x9FFFFFFF  }
0xc2: {  	(tm) =	ssettm $0x7FFFFFFF  }
0xc3: {  	_ =	shalt  }
tec
execute0_lowered:
.L_overlay_start_1:
0x0: {  	(tag) =	ssettag $0x1  }
0x1: {  	s4 =	rddreg [dreg:$0x0]  }
0x2: {  	s6 =	rddreg [dreg:$0x1]  }
0x3: {  	s0 =	rddreg [dreg:$0x2];
	s3 =	srdreg.scid  }
0x4: {  	s1 =	stileid.u32;
	s2 =	simm.s32 $0x0;
	s10 =	simm.s32 $0x80  }
0x5: {  	s11 =	simm.s32 $0x1000;
	s12 =	simm.s32 $0x3000;
	s13 =	simm.s32 $0x1  }
0x6: {  	s14 =	simm.s32 $0x2;
	s15 =	simm.s32 $0x5000;
	s16 =	simm.s32 $0x0  }
0x7: {  	s3 =	sand.u32 $0x1, s3;
	s5 =	sshll.u32 s1, $0x1;
	[smem:$0x7FF] =	sst s2  }
0x8: {  	s5 =	sor.u32 s3, s5;
	_ =	strace $0x80000047;
	s8 =	ssub.s32 $0x2, s3  }
0x9: {  	s3 =	sadd.s32 $0x498400, s4;
	s7 =	sshll.u32 s5, $0x9;
	s9 =	sshrl.u32 s8, $0x1  }
0xa: {  	s31 =	sshll.u32 s5, $0x4;
	s7 =	sadd.s32 s7, s4;
	s4 =	sadd.s32 $0x4600, s4  }
0xb: {  	s8 =	ssub.s32 s8, s9;
	s6 =	sadd.s32 s6, s31;
	s9 =	simm.s32 $0x5080  }
0xc: {  	v0 =	vlaneseq.u32;
	s5 =	sadd.s32 $0x600, s7;
	s7 =	smax.u32 s8, $0x1;
	s8 =	simm.s32 $0x3  }
.LBB2_1:
0xd: {  	[tilespmem:s2], [sflag:$0x3] =	stream.linear.gather [hbm4b:s5+s2], $0x1000, $0x38;
	[tilespmem:$0x5090] =	vst v63  }
0xe: {  	_ =	swait.ge [sflag:s8], $0x1000  }
0xf: {  	[sflag:s8] =	ssyncset.done $0x0  }
0x10: {  	[sflag:s8] =	ssyncadd.s32 $0xFFFFF000  }
0x11: {  	[tilespmem:s9], [sflag:$0x3] =	stream.linear.gather [hbm4b:s4+s2], $0x10, $0x38;
	[tilespmem:$0x5090] =	vst v63  }
0x12: {  	_ =	swait.ge [sflag:s8], $0x10  }
0x13: {  	[sflag:s8] =	ssyncset.done $0x0  }
0x14: {  	s17 =	simm.s32 $0x0;
	[sflag:s8] =	ssyncadd.s32 $0xFFFFFFF0  }
0x15: {  	v1 =	vimm.f32 $0.0e+00;
	v2 =	vimm.f32 $0.0e+00;
	[tilespmem:s11], [sflag:$0x1] =	stream.indirect.gather [hbm4b:s3+s10], $0x40, s2, s10, $0xb8;
	[tilespmem:$0x5090] =	vst v63  }
.LBB2_2:
0x16: {  	s18 =	sshllo.u32 s17, $0x1  }
0x17: {  	s19 =	sshll.u32 s18, $0x7  }
0x18: {  	s19 =	sand.u32 $0x3FFFFF80, s19  }
0x19: {  	[tilespmem:s12], [sflag:$0x2] =	stream.indirect.gather [hbm4b:s3+s10], $0x40, s19, s10, $0xb8;
	[tilespmem:$0x5090] =	vst v63  }
0x1a: {  	_ =	swait.ge [sflag:s13], $0x2000  }
0x1b: {  	[sflag:s13] =	ssyncset.done $0x0  }
0x1c: {  	s19 =	simm.s32 $0x0;
	[sflag:s13] =	ssyncadd.s32 $0xFFFFE000  }
0x1d: {  	v3 =	vld [tilespmem:s19+$0x1000]  }
0x1e: {  	v5 =	vld [tilespmem:s19+$0x1010];
	_ =	sdelay $0x2  }
0x1f: {  	v7 =	vld [tilespmem:s19+$0x1020]  }
0x20: {  	v6 =	vmul.f32 v3, v3  }
0x21: {  	v8 =	vld [tilespmem:s19+$0x1030];
	v3 =	vadd.f32 v3, v1;
	v4 =	vadd.f32 v5, v1;
	v10 =	vmul.f32 v5, v5  }
0x22: {  	s20 =	simm.s32 $0x40;
	s21 =	simm.s32 $0x200;
	v5 =	vimm.f32 $0.0e+00;
	v9 =	vadd.f32 v6, v1;
	v6 =	vimm.f32 $0.0e+00  }
.LBB2_3:
0x23: {  	p0 =	sne.s32 s21, $0x1D00;
	v11 =	vld [tilespmem:s20+$0x1000]  }
0x24: {  	v5 =	vadd.f32 v7, v5;
	v9 =	vadd.f32 v10, v9;
	v7 =	vmul.f32 v7, v7  }
0x25: {  	v10 =	vld [tilespmem:s20+$0x1010]  }
.Ltmp0:
0x26: {  	v6 =	vadd.f32 v8, v6;
	v9 =	vadd.f32 v7, v9;
	v8 =	vmul.f32 v8, v8;
	(pc) =	sbr.rel @p0 .LBB2_3-.Ltmp0, $4  }
0x27: {  	v7 =	vld [tilespmem:s20+$0x1020]  }
0x28: {  	v3 =	vadd.f32 v11, v3;
	v11 =	vmul.f32 v11, v11;
	v9 =	vadd.f32 v8, v9  }
0x29: {  	v8 =	vld [tilespmem:s20+$0x1030]  }
0x2a: {  	s20 =	sshra.s32 s21, $0x2;
	s21 =	sadd.s32 $0x100, s21;
	v4 =	vadd.f32 v10, v4;
	v9 =	vadd.f32 v11, v9;
	v10 =	vmul.f32 v10, v10  }
0x2b: {  	v11 =	vld [tilespmem:s20+$0x1000]  }
0x2c: {  	v9 =	vadd.f32 v10, v9;
	v10 =	vmul.f32 v7, v7  }
0x2d: {  	v12 =	vld [tilespmem:s20+$0x1010]  }
0x2e: {  	v9 =	vadd.f32 v10, v9;
	v10 =	vmul.f32 v8, v8  }
0x2f: {  	v13 =	vld [tilespmem:s20+$0x1020]  }
0x30: {  	v14 =	vmul.f32 v11, v11;
	v9 =	vadd.f32 v10, v9  }
0x31: {  	v10 =	vld [tilespmem:s20+$0x1030]  }
0x32: {  	v15 =	vld [tilespmem:s19+$0x1800];
	v9 =	vadd.f32 v14, v9;
	v14 =	vmul.f32 v12, v12  }
0x33: {  	v16 =	vld [tilespmem:s19+$0x1810];
	v5 =	vadd.f32 v7, v5;
	v8 =	vadd.f32 v8, v6  }
0x34: {  	v6 =	vadd.f32 v11, v3;
	v9 =	vadd.f32 v14, v9;
	v14 =	vmul.f32 v13, v13  }
0x35: {  	v7 =	vadd.f32 v12, v4;
	v5 =	vadd.f32 v13, v5  }
0x36: {  	v11 =	vimm.f32 $0.0e+00;
	v12 =	vld [tilespmem:s19+$0x1820];
	v3 =	vadd.f32 v14, v9;
	v9 =	vmul.f32 v10, v10  }
0x37: {  	v13 =	vimm.f32 $0.0e+00;
	v4 =	vadd.f32 v10, v8;
	v10 =	vmul.f32 v15, v15  }
0x38: {  	v8 =	vadd.f32 v16, v13;
	v16 =	vmul.f32 v16, v16;
	v14 =	vld [tilespmem:s19+$0x1830];
	v3 =	vadd.f32 v9, v3  }
0x39: {  	s20 =	simm.s32 $0x200;
	s19 =	simm.s32 $0x40;
	v9 =	vadd.f32 v15, v13;
	v15 =	vadd.f32 v10, v13;
	v10 =	vimm.f32 $0.0e+00  }
.LBB2_5:
0x3a: {  	p0 =	sne.s32 s20, $0x1D00;
	v17 =	vld [tilespmem:s19+$0x1800]  }
0x3b: {  	v10 =	vadd.f32 v12, v10;
	v15 =	vadd.f32 v16, v15;
	v12 =	vmul.f32 v12, v12  }
0x3c: {  	v16 =	vld [tilespmem:s19+$0x1810]  }
.Ltmp1:
0x3d: {  	v11 =	vadd.f32 v14, v11;
	v15 =	vadd.f32 v12, v15;
	v14 =	vmul.f32 v14, v14;
	(pc) =	sbr.rel @p0 .LBB2_5-.Ltmp1, $4  }
0x3e: {  	v12 =	vld [tilespmem:s19+$0x1820]  }
0x3f: {  	v9 =	vadd.f32 v17, v9;
	v17 =	vmul.f32 v17, v17;
	v15 =	vadd.f32 v14, v15  }
0x40: {  	v14 =	vld [tilespmem:s19+$0x1830]  }
0x41: {  	s19 =	sshra.s32 s20, $0x2;
	s20 =	sadd.s32 $0x100, s20;
	v8 =	vadd.f32 v16, v8;
	v15 =	vadd.f32 v17, v15;
	v16 =	vmul.f32 v16, v16  }
0x42: {  	v17 =	vld [tilespmem:s19+$0x1800]  }
0x43: {  	v15 =	vadd.f32 v16, v15;
	v16 =	vmul.f32 v12, v12  }
0x44: {  	v18 =	vld [tilespmem:s19+$0x1810]  }
0x45: {  	v15 =	vadd.f32 v16, v15;
	v16 =	vmul.f32 v14, v14  }
0x46: {  	v19 =	vld [tilespmem:s19+$0x1820]  }
0x47: {  	v20 =	vmul.f32 v17, v17;
	v15 =	vadd.f32 v16, v15  }
0x48: {  	v16 =	vld [tilespmem:s19+$0x1830];
	s19 =	simm.s32 $0x0  }
0x49: {  	v21 =	vld [tilespmem:s19+$0x2000];
	v15 =	vadd.f32 v20, v15;
	v20 =	vmul.f32 v18, v18  }
0x4a: {  	v22 =	vld [tilespmem:s19+$0x2010]  }
0x4b: {  	v10 =	vadd.f32 v12, v10;
	v15 =	vadd.f32 v20, v15;
	v20 =	vmul.f32 v19, v19  }
0x4c: {  	v14 =	vadd.f32 v14, v11;
	v11 =	vadd.f32 v17, v9  }
0x4d: {  	v12 =	vadd.f32 v18, v8;
	v18 =	vld [tilespmem:s19+$0x2020];
	v17 =	vmul.f32 v16, v16;
	v15 =	vadd.f32 v20, v15  }
0x4e: {  	v10 =	vadd.f32 v19, v10;
	v9 =	vadd.f32 v16, v14;
	v16 =	vmul.f32 v21, v21  }
0x4f: {  	v14 =	vadd.f32 v21, v13;
	v20 =	vmul.f32 v22, v22;
	v8 =	vadd.f32 v17, v15;
	v17 =	vld [tilespmem:s19+$0x2030]  }
0x50: {  	s20 =	simm.s32 $0x40;
	s21 =	simm.s32 $0x200;
	v15 =	vadd.f32 v22, v13;
	v19 =	vadd.f32 v16, v13;
	v16 =	vimm.f32 $0.0e+00  }
.LBB2_7:
0x51: {  	p0 =	sne.s32 s21, $0x1D00;
	v21 =	vld [tilespmem:s20+$0x2000]  }
0x52: {  	v13 =	vadd.f32 v18, v13;
	v19 =	vadd.f32 v20, v19;
	v18 =	vmul.f32 v18, v18  }
0x53: {  	v20 =	vld [tilespmem:s20+$0x2010]  }
.Ltmp2:
0x54: {  	v16 =	vadd.f32 v17, v16;
	v19 =	vadd.f32 v18, v19;
	v17 =	vmul.f32 v17, v17;
	(pc) =	sbr.rel @p0 .LBB2_7-.Ltmp2, $4  }
0x55: {  	v18 =	vld [tilespmem:s20+$0x2020]  }
0x56: {  	v14 =	vadd.f32 v21, v14;
	v21 =	vmul.f32 v21, v21;
	v19 =	vadd.f32 v17, v19  }
0x57: {  	v17 =	vld [tilespmem:s20+$0x2030]  }
0x58: {  	s20 =	sshra.s32 s21, $0x2;
	s21 =	sadd.s32 $0x100, s21;
	v15 =	vadd.f32 v20, v15;
	v19 =	vadd.f32 v21, v19;
	v20 =	vmul.f32 v20, v20  }
0x59: {  	v21 =	vld [tilespmem:s20+$0x2000]  }
0x5a: {  	v19 =	vadd.f32 v20, v19;
	v20 =	vmul.f32 v18, v18  }
0x5b: {  	v22 =	vld [tilespmem:s20+$0x2010]  }
0x5c: {  	v19 =	vadd.f32 v20, v19;
	v20 =	vmul.f32 v17, v17  }
0x5d: {  	v23 =	vld [tilespmem:s20+$0x2020]  }
0x5e: {  	v25 =	vld [tilespmem:s19+$0x2800];
	v24 =	vmul.f32 v21, v21;
	v19 =	vadd.f32 v20, v19  }
0x5f: {  	v20 =	vld [tilespmem:s20+$0x2030]  }
0x60: {  	v19 =	vadd.f32 v24, v19;
	v24 =	vmul.f32 v22, v22  }
0x61: {  	v13 =	vadd.f32 v18, v13  }
0x62: {  	v26 =	vld [tilespmem:s19+$0x2810];
	v18 =	vadd.f32 v24, v19;
	v19 =	vmul.f32 v23, v23;
	v24 =	vadd.f32 v17, v16  }
0x63: {  	v16 =	vadd.f32 v21, v14;
	v17 =	vadd.f32 v22, v15  }
0x64: {  	v21 =	vmul.f32 v25, v25;
	v22 =	vld [tilespmem:s19+$0x2820];
	v18 =	vadd.f32 v19, v18;
	v19 =	vmul.f32 v20, v20  }
0x65: {  	v15 =	vadd.f32 v23, v13;
	v14 =	vadd.f32 v20, v24;
	v20 =	vimm.f32 $0.0e+00  }
0x66: {  	v23 =	vld [tilespmem:s19+$0x2830];
	v24 =	vadd.f32 v21, v20;
	v21 =	vimm.f32 $0.0e+00;
	v13 =	vadd.f32 v19, v18  }
0x67: {  	s20 =	simm.s32 $0x200;
	s19 =	simm.s32 $0x40;
	v19 =	vadd.f32 v25, v20;
	v18 =	vadd.f32 v26, v20;
	v25 =	vmul.f32 v26, v26  }
.LBB2_9:
0x68: {  	p0 =	sne.s32 s20, $0x1D00;
	v26 =	vld [tilespmem:s19+$0x2800]  }
0x69: {  	v20 =	vadd.f32 v22, v20;
	v24 =	vadd.f32 v25, v24;
	v22 =	vmul.f32 v22, v22  }
0x6a: {  	v25 =	vld [tilespmem:s19+$0x2810]  }
.Ltmp3:
0x6b: {  	v21 =	vadd.f32 v23, v21;
	v24 =	vadd.f32 v22, v24;
	v23 =	vmul.f32 v23, v23;
	(pc) =	sbr.rel @p0 .LBB2_9-.Ltmp3, $4  }
0x6c: {  	v22 =	vld [tilespmem:s19+$0x2820]  }
0x6d: {  	v19 =	vadd.f32 v26, v19;
	v26 =	vmul.f32 v26, v26;
	v24 =	vadd.f32 v23, v24  }
0x6e: {  	v23 =	vld [tilespmem:s19+$0x2830]  }
0x6f: {  	s19 =	sshra.s32 s20, $0x2;
	s20 =	sadd.s32 $0x100, s20;
	v18 =	vadd.f32 v25, v18;
	v24 =	vadd.f32 v26, v24;
	v25 =	vmul.f32 v25, v25  }
0x70: {  	v50 =	vmul.f32 v6, v6  }
0x71: {  	v51 =	vmul.f32 v7, v7;
	v6 =	vadd.f32 v7, v6;
	v54 =	vmul.f32 v5, v5  }
0x72: {  	v27 =	vld [tilespmem:s19+$0x2810];
	v55 =	vmul.f32 v11, v11;
	v56 =	vmul.f32 v12, v12;
	v61 =	vadd.f32 v17, v16  }
0x73: {  	v24 =	vadd.f32 v25, v24;
	v47 =	vmul.f32 v22, v22;
	v20 =	vadd.f32 v22, v20  }
0x74: {  	v58 =	vmul.f32 v10, v10;
	v53 =	vadd.f32 v51, v50;
	v5 =	vadd.f32 v5, v6  }
0x75: {  	v26 =	vld [tilespmem:s19+$0x2800];
	v6 =	vmul.f32 v4, v4;
	v57 =	vadd.f32 v56, v55;
	v24 =	vadd.f32 v47, v24  }
0x76: {  	v48 =	vmul.f32 v23, v23;
	v4 =	vadd.f32 v4, v5;
	v5 =	vadd.f32 v12, v11  }
0x77: {  	v59 =	vmul.f32 v17, v17;
	v7 =	vadd.f32 v27, v18;
	v18 =	vadd.f32 v54, v53  }
0x78: {  	v60 =	vmul.f32 v9, v9;
	v21 =	vadd.f32 v23, v21;
	v49 =	vadd.f32 v48, v24  }
0x79: {  	v11 =	vld [tilespmem:s19+$0x2820];
	v5 =	vadd.f32 v10, v5;
	v10 =	vmul.f32 v16, v16;
	v6 =	vadd.f32 v6, v18  }
0x7a: {  	v19 =	vadd.f32 v26, v19;
	v52 =	vmul.f32 v26, v26;
	(xrf2) =	vadd.scan.msk.f32 $0xffff, v4;
	v4 =	vadd.f32 v58, v57  }
0x7b: {  	v62 =	vld [tilespmem:s19+$0x2830];
	v5 =	vadd.f32 v9, v5;
	v9 =	vmul.f32 v15, v15;
	(xrf2) =	vadd.scan.msk.f32 $0xffff, v6;
	v6 =	vadd.f32 v59, v10  }
0x7c: {  	v63 =	vmul.f32 v27, v27;
	(xrf2) =	vadd.scan.msk.f32 $0xffff, v3;
	v3 =	vadd.f32 v60, v4;
	v4 =	vadd.f32 v15, v61  }
0x7d: {  	v22 =	vadd.f32 v52, v49;
	(xrf2) =	vadd.scan.msk.f32 $0xffff, v5;
	v5 =	vadd.f32 v9, v6;
	v6 =	vmul.f32 v14, v14  }
0x7e: {  	v10 =	vadd.f32 v11, v20;
	v9 =	vmul.f32 v7, v7;
	(xrf2) =	vadd.scan.msk.f32 $0xffff, v3;
	v3 =	vadd.f32 v14, v4  }
0x7f: {  	v4 =	vmul.f32 v19, v19;
	v5 =	vadd.f32 v6, v5;
	v6 =	vadd.f32 v7, v19  }
0x80: {  	(xrf2) =	vadd.scan.msk.f32 $0xffff, v8;
	v7 =	vadd.f32 v62, v21;
	v8 =	vadd.f32 v63, v22  }
0x81: {  	(xrf2) =	vadd.scan.msk.f32 $0xffff, v3;
	v3 =	vadd.f32 v9, v4;
	v4 =	vmul.f32 v10, v10;
	v9 =	vmul.f32 v11, v11  }
0x82: {  	(xrf2) =	vadd.scan.msk.f32 $0xffff, v5;
	v5 =	vadd.f32 v10, v6  }
0x83: {  	v3 =	vadd.f32 v4, v3;
	v4 =	vmul.f32 v7, v7;
	v6 =	vadd.f32 v9, v8  }
0x84: {  	v8 =	vmul.f32 v62, v62;
	v5 =	vadd.f32 v7, v5  }
0x85: {  	(xrf2) =	vadd.scan.msk.f32 $0xffff, v13;
	v3 =	vadd.f32 v4, v3  }
0x86: {  	v7, _, _ =	vpop (xrf2);
	v4 =	vadd.f32 v8, v6;
	(xrf2) =	vadd.scan.msk.f32 $0xffff, v5  }
0x87: {  	(v2sf) =	vpush v7, $0xF;
	v6, _, _ =	vpop (xrf2);
	(xrf2) =	vadd.scan.msk.f32 $0xffff, v3  }
0x88: {  	(v2sf) =	vpush v6, $0xF;
	v5, _, _ =	vpop (xrf2);
	(xrf2) =	vadd.scan.msk.f32 $0xffff, v4  }
0x89: {  	(v2sf) =	vpush v5, $0xF;
	v3, _, _ =	vpop (xrf2)  }
0x8a: {  	v4, _, _ =	vpop (xrf2);
	(v2sf) =	vpush v3, $0xF  }
0x8b: {  	v3, _, _ =	vpop (xrf2);
	(v2sf) =	vpush v4, $0xF  }
0x8c: {  	(v2sf) =	vpush v3, $0xF  }
0x8d: {  	v4, _, _ =	vpop (xrf2)  }
0x8e: {  	v3, _, _ =	vpop (xrf2);
	(v2sf) =	vpush v4, $0xF  }
0x8f: {  	v4, _, _ =	vpop (xrf2);
	(v2sf) =	vpush v3, $0xF  }
0x90: {  	(v2sf) =	vpush v4, $0xF;
	v3, _, _ =	vpop (xrf2)  }
0x91: {  	v4, _, _ =	vpop (xrf2);
	(v2sf) =	vpush v3, $0xF  }
0x92: {  	(v2sf) =	vpush v4, $0xF;
	v3, _, _ =	vpop (xrf2)  }
0x93: {  	(v2sf) =	vpush v3, $0xF;
	_ =	sdelay $0x2  }
0x94: {  	s31 =	spop (v2sf)  }
0x95: {  	s20 =	spop (v2sf)  }
0x96: {  	p0 =	seq.s32 s17, $0xF;
	s21 =	spop (v2sf)  }
0x97: {  	s28 =	sshll.u32 @!p0 s17, $0x8;
	s30 =	simm.s32 @!p0 $0x1000;
	s22 =	spop (v2sf)  }
0x98: {  	s20 =	ssub.f32 s20, s21;
	s21 =	sand.u32 @!p0 $0x3FFFFF00, s28;
	s23 =	spop (v2sf)  }
0x99: {  	s28 =	simm.s32 @!p0 $0x80;
	s21 =	sadd.s32 @!p0 $0x100, s21;
	s24 =	spop (v2sf)  }
0x9a: {  	[tilespmem:s30], [sflag:$0x1] =	stream.indirect.gather @!p0 [hbm4b:s3+s28], $0x40, s21, s28, $0xb8;
	[tilespmem:$0x5090] =	vst v63  }
0x9b: {  	s25 =	spop (v2sf)  }
0x9c: {  	s26 =	spop (v2sf)  }
0x9d: {  	s29 =	spop (v2sf)  }
0x9e: {  	s21 =	spop (v2sf)  }
0x9f: {  	s20 =	smul.f32 $5.000000000e-01, s20;
	s28 =	spop (v2sf)  }
0xa0: {  	s19 =	simm.s32 $0x0;
	s23 =	ssub.f32 s23, s24;
	s30 =	spop (v2sf)  }
0xa1: {  	s20 =	sadd.f32 s20, s31;
	s31 =	sshll.u32 s17, $0x3;
	_ =	swait.ge [sflag:s14], $0x2000  }
0xa2: {  	s24 =	sand.u32 $0x8, s31;
	s26 =	ssub.f32 s26, s29;
	[sflag:s14] =	ssyncset.done $0x0  }
0xa3: {  	s23 =	smul.f32 $5.000000000e-01, s23;
	s28 =	ssub.f32 s28, s30;
	[sflag:s14] =	ssyncadd.s32 $0xFFFFE000  }
0xa4: {  	v4 =	vmov s24;
	s31 =	sor.u32 $0x1, s24;
	s30 =	smul.f32 $5.000000000e-01, s26;
	v3 =	vld [tilespmem:s19+$0x3000]  }
0xa5: {  	s22 =	sadd.f32 s23, s22;
	vm0 =	veq.s32 v4, v0;
	v4 =	vmov s31;
	s31 =	sor.u32 $0x2, s24;
	s29 =	smul.f32 $5.000000000e-01, s28;
	v5 =	vld [tilespmem:s19+$0x3010]  }
0xa6: {  	v2 =	vsel vm0, s20, v2;
	v6 =	vmov s31;
	vm13 =	veq.s32 v4, v0;
	s31 =	sor.u32 $0x3, s24;
	s30 =	sadd.f32 s30, s25  }
0xa7: {  	v2 =	vsel vm13, s22, v2;
	vm14 =	veq.s32 v6, v0;
	v4 =	vmov s31;
	s20 =	sadd.f32 s29, s21  }
0xa8: {  	vm15 =	veq.s32 v4, v0;
	v7 =	vld [tilespmem:s19+$0x3020];
	v2 =	vsel vm14, s30, v2  }
0xa9: {  	v8 =	vimm.f32 $0.0e+00;
	v2 =	vsel vm15, s20, v2;
	v6 =	vmul.f32 v3, v3  }
0xaa: {  	v9 =	vld [tilespmem:s19+$0x3030];
	v3 =	vadd.f32 v3, v8;
	v4 =	vadd.f32 v5, v8;
	v11 =	vmul.f32 v5, v5  }
0xab: {  	s21 =	simm.s32 $0x200;
	s20 =	simm.s32 $0x40;
	v5 =	vimm.f32 $0.0e+00;
	v10 =	vadd.f32 v6, v8;
	v6 =	vimm.f32 $0.0e+00  }
.LBB2_11:
0xac: {  	p0 =	sne.s32 s21, $0x1D00;
	v12 =	vld [tilespmem:s20+$0x3000]  }
0xad: {  	v5 =	vadd.f32 v7, v5;
	v10 =	vadd.f32 v11, v10;
	v7 =	vmul.f32 v7, v7  }
0xae: {  	v11 =	vld [tilespmem:s20+$0x3010]  }
.Ltmp4:
0xaf: {  	v6 =	vadd.f32 v9, v6;
	v10 =	vadd.f32 v7, v10;
	v9 =	vmul.f32 v9, v9;
	(pc) =	sbr.rel @p0 .LBB2_11-.Ltmp4, $4  }
0xb0: {  	v7 =	vld [tilespmem:s20+$0x3020]  }
0xb1: {  	v3 =	vadd.f32 v12, v3;
	v12 =	vmul.f32 v12, v12;
	v10 =	vadd.f32 v9, v10  }
0xb2: {  	v9 =	vld [tilespmem:s20+$0x3030]  }
0xb3: {  	s20 =	sshra.s32 s21, $0x2;
	s21 =	sadd.s32 $0x100, s21;
	v4 =	vadd.f32 v11, v4;
	v10 =	vadd.f32 v12, v10;
	v11 =	vmul.f32 v11, v11  }
0xb4: {  	v12 =	vld [tilespmem:s20+$0x3000]  }
0xb5: {  	v10 =	vadd.f32 v11, v10;
	v11 =	vmul.f32 v7, v7  }
0xb6: {  	v13 =	vld [tilespmem:s20+$0x3010]  }
0xb7: {  	v10 =	vadd.f32 v11, v10;
	v11 =	vmul.f32 v9, v9  }
0xb8: {  	v14 =	vld [tilespmem:s20+$0x3020]  }
0xb9: {  	v15 =	vmul.f32 v12, v12;
	v10 =	vadd.f32 v11, v10  }
0xba: {  	v11 =	vld [tilespmem:s20+$0x3030]  }
0xbb: {  	v16 =	vld [tilespmem:s19+$0x3800];
	v10 =	vadd.f32 v15, v10;
	v15 =	vmul.f32 v13, v13  }
0xbc: {  	v17 =	vld [tilespmem:s19+$0x3810]  }
0xbd: {  	v5 =	vadd.f32 v7, v5;
	v10 =	vadd.f32 v15, v10;
	v15 =	vmul.f32 v14, v14  }
0xbe: {  	v9 =	vadd.f32 v9, v6;
	v6 =	vadd.f32 v12, v3  }
0xbf: {  	v7 =	vadd.f32 v13, v4;
	v12 =	vld [tilespmem:s19+$0x3820];
	v3 =	vadd.f32 v15, v10;
	v10 =	vmul.f32 v11, v11  }
0xc0: {  	v5 =	vadd.f32 v14, v5;
	v4 =	vadd.f32 v11, v9;
	v11 =	vmul.f32 v16, v16  }
0xc1: {  	v13 =	vld [tilespmem:s19+$0x3830];
	v9 =	vadd.f32 v16, v8;
	v15 =	vmul.f32 v17, v17;
	v3 =	vadd.f32 v10, v3  }
0xc2: {  	s20 =	simm.s32 $0x200;
	s19 =	simm.s32 $0x40;
	v10 =	vadd.f32 v17, v8;
	v14 =	vadd.f32 v11, v8;
	v11 =	vimm.f32 $0.0e+00  }
.LBB2_13:
0xc3: {  	p0 =	sne.s32 s20, $0x1D00;
	v16 =	vld [tilespmem:s19+$0x3800]  }
0xc4: {  	v8 =	vadd.f32 v12, v8;
	v14 =	vadd.f32 v15, v14;
	v12 =	vmul.f32 v12, v12  }
0xc5: {  	v15 =	vld [tilespmem:s19+$0x3810]  }
.Ltmp5:
0xc6: {  	v11 =	vadd.f32 v13, v11;
	v14 =	vadd.f32 v12, v14;
	v13 =	vmul.f32 v13, v13;
	(pc) =	sbr.rel @p0 .LBB2_13-.Ltmp5, $4  }
0xc7: {  	v12 =	vld [tilespmem:s19+$0x3820]  }
0xc8: {  	v9 =	vadd.f32 v16, v9;
	v16 =	vmul.f32 v16, v16;
	v14 =	vadd.f32 v13, v14  }
0xc9: {  	v13 =	vld [tilespmem:s19+$0x3830]  }
0xca: {  	s19 =	sshra.s32 s20, $0x2;
	s20 =	sadd.s32 $0x100, s20;
	v10 =	vadd.f32 v15, v10;
	v14 =	vadd.f32 v16, v14;
	v15 =	vmul.f32 v15, v15  }
0xcb: {  	v16 =	vld [tilespmem:s19+$0x3800]  }
0xcc: {  	v14 =	vadd.f32 v15, v14;
	v15 =	vmul.f32 v12, v12  }
0xcd: {  	v17 =	vld [tilespmem:s19+$0x3810]  }
0xce: {  	v14 =	vadd.f32 v15, v14;
	v15 =	vmul.f32 v13, v13  }
0xcf: {  	v18 =	vld [tilespmem:s19+$0x3820]  }
0xd0: {  	v19 =	vmul.f32 v16, v16;
	v14 =	vadd.f32 v15, v14;
	v15 =	vld [tilespmem:s19+$0x3830]  }
0xd1: {  	s19 =	simm.s32 $0x0  }
0xd2: {  	v8 =	vadd.f32 v12, v8;
	v20 =	vld [tilespmem:s19+$0x4000];
	v14 =	vadd.f32 v19, v14;
	v19 =	vmul.f32 v17, v17  }
0xd3: {  	v13 =	vadd.f32 v13, v11;
	v11 =	vadd.f32 v16, v9;
	v21 =	vld [tilespmem:s19+$0x4010]  }
0xd4: {  	v12 =	vadd.f32 v17, v10;
	v14 =	vadd.f32 v19, v14;
	v19 =	vmul.f32 v18, v18  }
0xd5: {  	v10 =	vadd.f32 v18, v8;
	v9 =	vadd.f32 v15, v13  }
0xd6: {  	v18 =	vld [tilespmem:s19+$0x4020];
	v13 =	vimm.f32 $0.0e+00;
	v8 =	vadd.f32 v19, v14;
	v14 =	vmul.f32 v15, v15  }
0xd7: {  	v16 =	vmul.f32 v20, v20;
	v15 =	vadd.f32 v20, v13  }
0xd8: {  	v17 =	vimm.f32 $0.0e+00;
	v19 =	vld [tilespmem:s19+$0x4030];
	v8 =	vadd.f32 v14, v8;
	v14 =	vadd.f32 v21, v13  }
0xd9: {  	s20 =	simm.s32 $0x40;
	s21 =	simm.s32 $0x200;
	v20 =	vadd.f32 v16, v13;
	v21 =	vmul.f32 v21, v21;
	v16 =	vimm.f32 $0.0e+00  }
.LBB2_15:
0xda: {  	p0 =	sne.s32 s21, $0x1D00;
	v22 =	vld [tilespmem:s20+$0x4000]  }
0xdb: {  	v16 =	vadd.f32 v18, v16;
	v20 =	vadd.f32 v21, v20;
	v18 =	vmul.f32 v18, v18  }
0xdc: {  	v21 =	vld [tilespmem:s20+$0x4010]  }
.Ltmp6:
0xdd: {  	v17 =	vadd.f32 v19, v17;
	v20 =	vadd.f32 v18, v20;
	v19 =	vmul.f32 v19, v19;
	(pc) =	sbr.rel @p0 .LBB2_15-.Ltmp6, $4  }
0xde: {  	v18 =	vld [tilespmem:s20+$0x4020]  }
0xdf: {  	v15 =	vadd.f32 v22, v15;
	v22 =	vmul.f32 v22, v22;
	v20 =	vadd.f32 v19, v20  }
0xe0: {  	v19 =	vld [tilespmem:s20+$0x4030]  }
0xe1: {  	s20 =	sshra.s32 s21, $0x2;
	s21 =	sadd.s32 $0x100, s21;
	v14 =	vadd.f32 v21, v14;
	v20 =	vadd.f32 v22, v20;
	v21 =	vmul.f32 v21, v21  }
0xe2: {  	v22 =	vld [tilespmem:s20+$0x4000]  }
0xe3: {  	v20 =	vadd.f32 v21, v20;
	v21 =	vmul.f32 v18, v18  }
0xe4: {  	v23 =	vld [tilespmem:s20+$0x4010]  }
0xe5: {  	v20 =	vadd.f32 v21, v20;
	v21 =	vmul.f32 v19, v19  }
0xe6: {  	v24 =	vld [tilespmem:s20+$0x4020]  }
0xe7: {  	v25 =	vmul.f32 v22, v22;
	v20 =	vadd.f32 v21, v20  }
0xe8: {  	v21 =	vld [tilespmem:s20+$0x4030]  }
0xe9: {  	v20 =	vadd.f32 v25, v20;
	v25 =	vmul.f32 v23, v23;
	_ =	sdelay $0x1  }
0xea: {  	v26 =	vld [tilespmem:s19+$0x4800];
	v20 =	vadd.f32 v25, v20;
	v25 =	vmul.f32 v24, v24  }
0xeb: {  	v27 =	vld [tilespmem:s19+$0x4810];
	v19 =	vadd.f32 v19, v17  }
0xec: {  	v17 =	vadd.f32 v22, v15;
	v22 =	vmul.f32 v21, v21;
	v20 =	vadd.f32 v25, v20  }
0xed: {  	v16 =	vadd.f32 v18, v16  }
0xee: {  	v18 =	vadd.f32 v23, v14;
	v14 =	vadd.f32 v22, v20;
	v22 =	vld [tilespmem:s19+$0x4820]  }
0xef: {  	v15 =	vadd.f32 v21, v19;
	v21 =	vmul.f32 v26, v26  }
0xf0: {  	v16 =	vadd.f32 v24, v16;
	v23 =	vld [tilespmem:s19+$0x4830];
	v19 =	vadd.f32 v26, v13;
	v25 =	vmul.f32 v27, v27  }
0xf1: {  	s20 =	simm.s32 $0x200;
	v24 =	vadd.f32 v21, v13;
	v21 =	vimm.f32 $0.0e+00;
	v20 =	vadd.f32 v27, v13;
	s19 =	simm.s32 $0x40  }
.LBB2_17:
0xf2: {  	p0 =	sne.s32 s20, $0x1D00;
	v26 =	vld [tilespmem:s19+$0x4800]  }
0xf3: {  	v13 =	vadd.f32 v22, v13;
	v24 =	vadd.f32 v25, v24;
	v22 =	vmul.f32 v22, v22  }
0xf4: {  	v25 =	vld [tilespmem:s19+$0x4810]  }
.Ltmp7:
0xf5: {  	v21 =	vadd.f32 v23, v21;
	v24 =	vadd.f32 v22, v24;
	v23 =	vmul.f32 v23, v23;
	(pc) =	sbr.rel @p0 .LBB2_17-.Ltmp7, $4  }
0xf6: {  	v22 =	vld [tilespmem:s19+$0x4820]  }
0xf7: {  	v19 =	vadd.f32 v26, v19;
	v26 =	vmul.f32 v26, v26;
	v24 =	vadd.f32 v23, v24  }
0xf8: {  	v23 =	vld [tilespmem:s19+$0x4830]  }
0xf9: {  	s19 =	sshra.s32 s20, $0x2;
	s20 =	sadd.s32 $0x100, s20;
	v20 =	vadd.f32 v25, v20;
	v24 =	vadd.f32 v26, v24;
	v25 =	vmul.f32 v25, v25  }
0xfa: {  	v56 =	vmul.f32 v6, v6  }
0xfb: {  	v57 =	vmul.f32 v7, v7;
	v58 =	vadd.f32 v7, v6;
	v63 =	vmul.f32 v11, v11  }
0xfc: {  	v29 =	vmul.f32 v12, v12;
	v31 =	vadd.f32 v12, v11;
	v38 =	vmul.f32 v17, v17  }
0xfd: {  	v39 =	vmul.f32 v18, v18;
	v41 =	vadd.f32 v18, v17;
	v24 =	vadd.f32 v25, v24  }
0xfe: {  	v51 =	vmul.f32 v22, v22;
	v13 =	vadd.f32 v22, v13;
	v22 =	vld [tilespmem:s19+$0x4830];
	v60 =	vadd.f32 v57, v56  }
0xff: {  	v61 =	vmul.f32 v5, v5;
	v62 =	vadd.f32 v5, v58;
	v33 =	vadd.f32 v29, v63  }
0x100: {  	v26 =	vld [tilespmem:s19+$0x4800];
	v34 =	vmul.f32 v10, v10;
	v36 =	vadd.f32 v10, v31;
	v6 =	vadd.f32 v39, v38  }
0x101: {  	v27 =	vld [tilespmem:s19+$0x4810];
	v30 =	vmul.f32 v4, v4;
	v24 =	vadd.f32 v51, v24;
	v21 =	vadd.f32 v23, v21  }
0x102: {  	v28 =	vld [tilespmem:s19+$0x4820];
	v42 =	vmul.f32 v16, v16;
	v32 =	vadd.f32 v4, v62;
	v5 =	vadd.f32 v34, v33  }
0x103: {  	v52 =	vmul.f32 v23, v23;
	v59 =	vadd.f32 v22, v21;
	v21 =	vadd.f32 v61, v60  }
0x104: {  	v40 =	vadd.f32 v9, v36;
	v45 =	vadd.f32 v42, v6  }
0x105: {  	v37 =	vmul.f32 v9, v9;
	v24 =	vadd.f32 v52, v24;
	v35 =	vadd.f32 v30, v21  }
0x106: {  	v46 =	vmul.f32 v15, v15;
	v19 =	vadd.f32 v26, v19;
	v20 =	vadd.f32 v27, v20;
	(xrf2) =	vadd.scan.msk.f32 $0xffff, v32  }
0x107: {  	v53 =	vmul.f32 v26, v26;
	v13 =	vadd.f32 v28, v13;
	v5 =	vadd.f32 v37, v5;
	(xrf2) =	vadd.scan.msk.f32 $0xffff, v35  }
0x108: {  	v43 =	vmul.f32 v19, v19;
	v44 =	vmul.f32 v20, v20;
	(xrf2) =	vadd.scan.msk.f32 $0xffff, v3;
	v3 =	vadd.f32 v16, v41  }
0x109: {  	v55 =	vmul.f32 v27, v27;
	v54 =	vadd.f32 v53, v24;
	v47 =	vadd.f32 v20, v19;
	(xrf2) =	vadd.scan.msk.f32 $0xffff, v40  }
0x10a: {  	v49 =	vmul.f32 v13, v13;
	v48 =	vadd.f32 v44, v43;
	(xrf2) =	vadd.scan.msk.f32 $0xffff, v5;
	v3 =	vadd.f32 v15, v3  }
0x10b: {  	v50 =	vmul.f32 v28, v28;
	v4 =	vadd.f32 v46, v45;
	v23 =	vadd.f32 v55, v54;
	(xrf2) =	vadd.scan.msk.f32 $0xffff, v8  }
0x10c: {  	v52 =	vmul.f32 v59, v59;
	v51 =	vadd.f32 v13, v47;
	(xrf2) =	vadd.scan.msk.f32 $0xffff, v3;
	v3 =	vadd.f32 v49, v48  }
0x10d: {  	v53 =	vadd.f32 v50, v23  }
0x10e: {  	v54 =	vmul.f32 v22, v22;
	v55 =	vadd.f32 v59, v51;
	(xrf2) =	vadd.scan.msk.f32 $0xffff, v4;
	v3 =	vadd.f32 v52, v3  }
0x10f: {  	(xrf2) =	vadd.scan.msk.f32 $0xffff, v14  }
0x110: {  	v56 =	vadd.f32 v54, v53;
	(xrf2) =	vadd.scan.msk.f32 $0xffff, v55  }
0x111: {  	v57, _, _ =	vpop (xrf2);
	(xrf2) =	vadd.scan.msk.f32 $0xffff, v3  }
0x112: {  	(v2sf) =	vpush v57, $0xF;
	v3, _, _ =	vpop (xrf2);
	(xrf2) =	vadd.scan.msk.f32 $0xffff, v56  }
0x113: {  	v58, _, _ =	vpop (xrf2);
	(v2sf) =	vpush v3, $0xF  }
0x114: {  	v3, _, _ =	vpop (xrf2);
	(v2sf) =	vpush v58, $0xF  }
0x115: {  	v59, _, _ =	vpop (xrf2);
	(v2sf) =	vpush v3, $0xF  }
0x116: {  	v3, _, _ =	vpop (xrf2);
	(v2sf) =	vpush v59, $0xF  }
0x117: {  	v60, _, _ =	vpop (xrf2);
	(v2sf) =	vpush v3, $0xF  }
0x118: {  	v3, _, _ =	vpop (xrf2);
	(v2sf) =	vpush v60, $0xF  }
0x119: {  	v61, _, _ =	vpop (xrf2);
	(v2sf) =	vpush v3, $0xF  }
0x11a: {  	v3, _, _ =	vpop (xrf2);
	(v2sf) =	vpush v61, $0xF  }
0x11b: {  	v62, _, _ =	vpop (xrf2);
	(v2sf) =	vpush v3, $0xF  }
0x11c: {  	(v2sf) =	vpush v62, $0xF;
	v3, _, _ =	vpop (xrf2)  }
0x11d: {  	(v2sf) =	vpush v3, $0xF;
	_ =	sdelay $0x3  }
0x11e: {  	s29 =	spop (v2sf)  }
0x11f: {  	s20 =	spop (v2sf)  }
0x120: {  	s21 =	spop (v2sf)  }
0x121: {  	s22 =	spop (v2sf)  }
0x122: {  	s23 =	spop (v2sf)  }
0x123: {  	s24 =	spop (v2sf)  }
0x124: {  	s20 =	ssub.f32 s20, s21;
	s21 =	spop (v2sf)  }
0x125: {  	s25 =	spop (v2sf)  }
0x126: {  	s20 =	smul.f32 $5.000000000e-01, s20;
	s26 =	spop (v2sf)  }
0x127: {  	s18 =	sshll.u32 s18, $0x2;
	s23 =	ssub.f32 s23, s24;
	s24 =	spop (v2sf)  }
0x128: {  	s18 =	sand.u32 $0xC, s18;
	s19 =	sadd.f32 s20, s29;
	s30 =	spop (v2sf)  }
0x129: {  	s28 =	sor.u32 $0x1, s18;
	s25 =	ssub.f32 s25, s26;
	s31 =	spop (v2sf)  }
0x12a: {  	v3 =	vmov s18;
	s29 =	sor.u32 $0x2, s18;
	s20 =	ssub.f32 s30, s31;
	s30 =	sand.u32 $0x1, s17  }
0x12b: {  	vm0 =	veq.s32 v3, v0;
	v3 =	vmov s28;
	s18 =	sor.u32 $0x3, s18;
	s23 =	smul.f32 $5.000000000e-01, s23;
	p0 =	seq.s32 s30, $0x0  }
0x12c: {  	vm13 =	veq.s32 v3, v0;
	v3 =	vmov s18;
	s25 =	smul.f32 $5.000000000e-01, s25;
	s18 =	sshll.u32 @!p0 s17, $0x3;
	s17 =	sadd.s32 $0x1, s17  }
0x12d: {  	s22 =	sadd.f32 s23, s22;
	s20 =	smul.f32 $5.000000000e-01, s20;
	p1 =	sne.s32 s17, $0x10  }
.Ltmp8:
0x12e: {  	v63 =	vmov s29;
	v2 =	vsel vm0, s19, v2;
	s31 =	sadd.f32 s25, s21;
	(pc) =	sbr.rel @p1 .LBB2_2-.Ltmp8, $4  }
0x12f: {  	vm14 =	veq.s32 v63, v0;
	v2 =	vsel vm13, s22, v2;
	s20 =	sadd.f32 s20, s24  }
0x130: {  	vm15 =	veq.s32 v3, v0;
	v2 =	vsel vm14, s31, v2  }
0x131: {  	s18 =	sand.u32 @!p0 $0x70, s18;
	v2 =	vsel vm15, s20, v2  }
0x132: {  	[tilespmem:s18+$0x5000] =	vst @!p0 v2  }
0x133: {  	v1 =	vld [tilespmem:$0x5080]  }
0x134: {  	v2 =	vld [tilespmem:$0x5000];
	_ =	sdelay $0x4  }
0x135: {  	v2 =	vadd.f32 v2, v1;
	_ =	sdelay $0x1  }
0x136: {  	v2 =	vsub.f32 $0.0e+00, v2;
	_ =	sdelay $0x1  }
0x137: {  	v2 =	vmul.f32 $1.442695020e+00, v2;
	_ =	sdelay $0x1  }
0x138: {  	(erf) = vpow2.f32 v2;
	_ =	sdelay $0x1  }
0x139: {  	v2 =	vld [tilespmem:$0x5010];
	_ =	sdelay $0x4  }
0x13a: {  	v2 =	vadd.f32 v2, v1;
	_ =	sdelay $0x1  }
0x13b: {  	v2 =	vsub.f32 $0.0e+00, v2;
	v3 =	vpop (erf)  }
0x13c: {  	v3 =	vadd.f32 $1.000000000e+00, v3  }
0x13d: {  	v2 =	vmul.f32 $1.442695020e+00, v2  }
0x13e: {  	(erf) = vrcp.f32 v3  }
0x13f: {  	(erf) = vpow2.f32 v2;
	_ =	sdelay $0x1  }
0x140: {  	v2 =	vld [tilespmem:$0x5020];
	_ =	sdelay $0x4  }
0x141: {  	v2 =	vadd.f32 v2, v1  }
0x142: {  	v3 =	vpop (erf)  }
0x143: {  	v2 =	vsub.f32 $0.0e+00, v2;
	v4 =	vpop (erf)  }
0x144: {  	v4 =	vadd.f32 $1.000000000e+00, v4  }
0x145: {  	v2 =	vmul.f32 $1.442695020e+00, v2  }
0x146: {  	(erf) = vrcp.f32 v4  }
0x147: {  	(erf) = vpow2.f32 v2;
	_ =	sdelay $0x1  }
0x148: {  	v2 =	vld [tilespmem:$0x5030];
	_ =	sdelay $0x4  }
0x149: {  	v2 =	vadd.f32 v2, v1  }
0x14a: {  	v4 =	vpop (erf)  }
0x14b: {  	v2 =	vsub.f32 $0.0e+00, v2;
	v5 =	vpop (erf)  }
0x14c: {  	v5 =	vadd.f32 $1.000000000e+00, v5  }
0x14d: {  	v2 =	vmul.f32 $1.442695020e+00, v2  }
0x14e: {  	(erf) = vrcp.f32 v5  }
0x14f: {  	(erf) = vpow2.f32 v2;
	_ =	sdelay $0x1  }
0x150: {  	v2 =	vld [tilespmem:$0x5040];
	_ =	sdelay $0x4  }
0x151: {  	v2 =	vadd.f32 v2, v1  }
0x152: {  	v5 =	vpop (erf)  }
0x153: {  	v2 =	vsub.f32 $0.0e+00, v2;
	v6 =	vpop (erf)  }
0x154: {  	v6 =	vadd.f32 $1.000000000e+00, v6  }
0x155: {  	v2 =	vmul.f32 $1.442695020e+00, v2  }
0x156: {  	(erf) = vrcp.f32 v6  }
0x157: {  	(erf) = vpow2.f32 v2;
	_ =	sdelay $0x1  }
0x158: {  	v2 =	vld [tilespmem:$0x5050];
	_ =	sdelay $0x4  }
0x159: {  	v2 =	vadd.f32 v2, v1  }
0x15a: {  	v6 =	vpop (erf)  }
0x15b: {  	v2 =	vsub.f32 $0.0e+00, v2;
	v7 =	vpop (erf)  }
0x15c: {  	v7 =	vadd.f32 $1.000000000e+00, v7  }
0x15d: {  	v2 =	vmul.f32 $1.442695020e+00, v2  }
0x15e: {  	(erf) = vrcp.f32 v7  }
0x15f: {  	(erf) = vpow2.f32 v2;
	_ =	sdelay $0x1  }
0x160: {  	v2 =	vld [tilespmem:$0x5060];
	_ =	sdelay $0x4  }
0x161: {  	v2 =	vadd.f32 v2, v1  }
0x162: {  	v7 =	vpop (erf)  }
0x163: {  	v2 =	vsub.f32 $0.0e+00, v2;
	v8 =	vpop (erf)  }
0x164: {  	v8 =	vadd.f32 $1.000000000e+00, v8  }
0x165: {  	v2 =	vmul.f32 $1.442695020e+00, v2  }
0x166: {  	(erf) = vrcp.f32 v8  }
0x167: {  	(erf) = vpow2.f32 v2;
	_ =	sdelay $0x1  }
0x168: {  	v2 =	vld [tilespmem:$0x5070];
	_ =	sdelay $0x4  }
0x169: {  	v1 =	vadd.f32 v2, v1  }
0x16a: {  	v2 =	vpop (erf)  }
0x16b: {  	v1 =	vsub.f32 $0.0e+00, v1;
	v62 =	vpop (erf)  }
0x16c: {  	v8 =	vadd.f32 $1.000000000e+00, v62  }
0x16d: {  	v1 =	vmul.f32 $1.442695020e+00, v1  }
0x16e: {  	(erf) = vrcp.f32 v8  }
0x16f: {  	(erf) = vpow2.f32 v1;
	_ =	sdelay $0x7  }
0x170: {  	v1 =	vpop (erf)  }
0x171: {  	v63 =	vpop (erf)  }
0x172: {  	v8 =	vadd.f32 $1.000000000e+00, v63;
	_ =	sdelay $0x1  }
0x173: {  	(erf) = vrcp.f32 v8;
	_ =	sdelay $0x2  }
0x174: {  	[tilespmem:$0x5000] =	vst v3  }
0x175: {  	[tilespmem:$0x5010] =	vst v4  }
0x176: {  	[tilespmem:$0x5020] =	vst v5  }
0x177: {  	[tilespmem:$0x5030] =	vst v6  }
0x178: {  	[tilespmem:$0x5040] =	vst v7  }
0x179: {  	s16 =	sadd.s32 $0x1, s16;
	[tilespmem:$0x5050] =	vst v2  }
0x17a: {  	p0 =	sne.s32 s16, s7;
	[tilespmem:$0x5060] =	vst v1;
	v1 =	vpop (erf)  }
.Ltmp9:
0x17b: {  	[tilespmem:$0x5070] =	vst v1;
	(pc) =	sbr.rel @p0 .LBB2_1-.Ltmp9, $4  }
0x17c: {  	[hbm4b:s6+s2] =	stream.linear.scatter [tilespmem:s15], [sflag:$0x3], $0x80, $0x38;
	[tilespmem:$0x5090] =	vst v63  }
0x17d: {  	_ =	swait.ge [sflag:s8], $0x80  }
0x17e: {  	[sflag:s8] =	ssyncset.done $0x0  }
0x17f: {  	[sflag:s8] =	ssyncadd.s32 $0xFFFFFF80  }
0x180: {  	_ =	sfence.sel $0x180000  }
0x181: {  	[bflag:$0x0] =	sbarrier.arrive $0xFFFF  }
0x182: {  	p0 =	sne.s32 s1, $0x0;
	_ =	strace $0x90000047  }
0x183: {  	s0 =	sadd.s32 @!p0 $0x100000, s0;
	[bflag:$0x2] =	sbarrier.arrive $0xFFFF  }
0x184: {  	[sflag:s0] =	ssyncadd.tile.s32 @!p0 $0x1;
	_ =	shalt  }
.Lfunc_end2:
_tile_overlayer_lowered:
.L_overlay_start_2:
0x185: {  	(tag) =	ssettag $0x2  }
0x186: {  	s0 =	rddreg [dreg:$0x0];
	s2 =	stileid.u32  }
0x187: {  	s1 =	rddreg [dreg:$0x1];
	p0 =	sne.s32 s2, $0x0  }
0x188: {  	s3 =	rddreg [dreg:$0x2];
	[bflag:$0x3] =	sbarrier.arrive $0xFFFF;
	s2 =	simm.s32 @!p0 $0x1C03  }
0x189: {  	[timem:s3], [sflag:s2] =	dma.local @!p0 [hbm:s0], s1  }
0x18a: {  	s0 =	simm.s32 @!p0 $0x3  }
0x18b: {  	_ =	swait.ge @!p0 [sflag:s0], s1  }
0x18c: {  	s1 =	ssub.s32 @!p0 $0x0, s1;
	[sflag:s0] =	ssyncset.done @!p0 $0x0  }
0x18d: {  	[sflag:s0] =	ssyncadd.s32 @!p0 s1  }
0x18e: {  	[bflag:$0x3] =	sbarrier.arrive $0xFFFF  }
0x18f: {  	_ =	shalt  }

</sc_bundles>
